<compile_context>
chip_gen: v7x
topology: tpu7x:2x2x1
jax: 0.10.2.dev20260603
libtpu: 0.0.44.dev20260713+nightly
codegen_flags: <defaults>
</compile_context>

<pallas_src>
import jax
import jax.numpy as jnp
from jax import lax
from jax.experimental import pallas as pl
from jax.experimental.pallas import tpu as pltpu
from jax.experimental.pallas import tpu_sc as plsc

N_WORDS = 1000
B, S = 16, 2048
GROUP_DIMS = (512, 256, 256)
N_CB = 4
OUT_D = sum(GROUP_DIMS)
N_TAB = 12

NC, NS, L = 2, 16, 16
NW = NC * NS
TOK = B * S
T_PER_W = TOK // NW

CHUNK = 32
N_CHUNK = T_PER_W // CHUNK

_HI_MASK = jnp.int32(-65536)


def _wide(v):
  vi = plsc.bitcast(v, jnp.int32)
  e = plsc.bitcast(vi << 16, jnp.float32)
  o = plsc.bitcast(vi & _HI_MASK, jnp.float32)
  return e, o


def _pass_sum(tx, ty, stage, nh, even, odd, add):
  store = plsc.addupdate_scatter if add else plsc.store_scatter

  def body(i, carry):
    for h in range(nh):
      for jj in range(4):
        sl = pl.ds(jj * 32, 32)
        xe, xo = _wide(tx[i, h, sl])
        ye, yo = _wide(ty[i, h, sl])
        row = stage.at[i, h, pl.ds(jj * 32, 32)]
        store(row, [even], xe + ye)
        store(row, [odd], xo + yo)
    return carry

  lax.fori_loop(0, CHUNK, body, 0)


def _sc_body(x5, sos, t00, t01, t02, t03, t10, t11, t12, t13, t20, t21,
             t22, t23, out, idx_v, tA00, tA01, tB00, tB01, g0a, g0b, tA10,
             tA11, tB10, tB11, g1a, g1b, sos_v, sa00, sa01, sb00, sb01,
             sO0a, sO0b, sa10, sa11, sb10, sb11, sO1a, sO1b):
  group_tabs = ((t00, t01, t02, t03), (t10, t11, t12, t13),
                (t20, t21, t22, t23))
  wid = lax.axis_index("s") * NC + lax.axis_index("c")
  b = wid // 2
  b_hi = b // 8
  b_lo = b % 8
  half = wid % 2
  s0 = half * T_PER_W

  even = lax.iota(jnp.int32, L) * 2
  odd = even + 1

  pltpu.sync_copy(x5.at[:, b_hi, pl.ds(half * 8, 8), b_lo, :], idx_v)

  pltpu.sync_copy(sos, sos_v)

  @pl.when(half == 0)
  def _():
    pltpu.sync_copy(sos_v, out.at[0, b_hi, :, b_lo, :])

  def run_group(tabs, nh, h0, jbase, tA, tB, stages, sa, sb, sO):
    def gidx(c, j):
      return idx_v.at[jbase + j, c // 4, pl.ds((c % 4) * CHUNK, CHUNK)]

    def gather(j, c, buf, sem):
      pltpu.async_copy(tabs[j].at[gidx(c, j)], buf, sem)

    def wait_gather(buf, sem):
      pltpu.make_async_copy(tabs[0].at[pl.ds(0, CHUNK)], buf, sem).wait()

    def out_dst(c):
      return out.at[pl.ds(1 + s0 + c * CHUNK, CHUNK), b_hi,
                    pl.ds(h0, nh), b_lo, :]

    def wait_out(p):
      pltpu.make_async_copy(stages[p], out_dst(0), sO[p]).wait()

    def do_chunk(c, p):
      wait_gather(tA[0], sa[0])
      wait_gather(tA[1], sa[1])
      gather(2, c, tB[0], sb[0])
      gather(3, c, tB[1], sb[1])

      @pl.when(c >= 2)
      def _():
        wait_out(p)

      if True:
        pass
      else:
        _pass_sum(tA[0], tA[1], stages[p], nh, even, odd, add=False)
      wait_gather(tB[0], sb[0])
      wait_gather(tB[1], sb[1])

      @pl.when(c < N_CHUNK - 1)
      def _():
        gather(0, c + 1, tA[0], sa[0])
        gather(1, c + 1, tA[1], sa[1])

      if True:
        pass
      else:
        _pass_sum(tB[0], tB[1], stages[p], nh, even, odd, add=True)
      pltpu.async_copy(stages[p], out_dst(c), sO[p])

    gather(0, 0, tA[0], sa[0])
    gather(1, 0, tA[1], sa[1])

    def pair_body(c2, carry):
      do_chunk(2 * c2, 0)
      do_chunk(2 * c2 + 1, 1)
      return carry

    lax.fori_loop(0, N_CHUNK // 2, pair_body, 0)
    return wait_out

  w0 = run_group(group_tabs[0], 4, 0, 0, (tA00, tA01), (tB00, tB01),
                 (g0a, g0b), (sa00, sa01), (sb00, sb01), (sO0a, sO0b))
  w1 = run_group(group_tabs[1], 2, 4, 4, (tA10, tA11), (tB10, tB11),
                 (g1a, g1b), (sa10, sa11), (sb10, sb11), (sO1a, sO1b))
  w1(0)
  w1(1)
  w2 = run_group(group_tabs[2], 2, 6, 8, (tA10, tA11), (tB10, tB11),
                 (g1a, g1b), (sa10, sa11), (sb10, sb11), (sO1a, sO1b))
  w2(0)
  w2(1)
  w0(0)
  w0(1)


def kernel(x, sos, table_0_0, table_0_1, table_0_2, table_0_3, table_1_0,
           table_1_1, table_1_2, table_1_3, table_2_0, table_2_1, table_2_2,
           table_2_3):
  x5 = (x.transpose((2, 0, 1)).reshape(N_TAB, 2, 8, 16, 128)
        .transpose((0, 1, 3, 2, 4)))
  sos_2d = sos.reshape(8, 128)
  tabs = [
      t.astype(jnp.bfloat16).reshape(N_WORDS + 1, d // 128, 128)
      for t, d in zip(
          (table_0_0, table_0_1, table_0_2, table_0_3, table_1_0, table_1_1,
           table_1_2, table_1_3, table_2_0, table_2_1, table_2_2, table_2_3),
          (512,) * 4 + (256,) * 8)
  ]

  mesh = plsc.VectorSubcoreMesh(
      core_axis_name="c", subcore_axis_name="s", num_cores=NC,
      num_subcores=NS)
  kfn = pl.kernel(
      _sc_body,
      out_type=jax.ShapeDtypeStruct((S + 1, 2, 8, 8, 128), jnp.float32),
      mesh=mesh,
      compiler_params=pltpu.CompilerParams(
          use_tc_tiling_on_sc=False, needs_layout_passes=False),
      scratch_types=[
          pltpu.VMEM((N_TAB, 8, 128), jnp.int32),
          pltpu.VMEM((CHUNK, 4, 128), jnp.bfloat16),
          pltpu.VMEM((CHUNK, 4, 128), jnp.bfloat16),
          pltpu.VMEM((CHUNK, 4, 128), jnp.bfloat16),
          pltpu.VMEM((CHUNK, 4, 128), jnp.bfloat16),
          pltpu.VMEM((CHUNK, 4, 128), jnp.float32),
          pltpu.VMEM((CHUNK, 4, 128), jnp.float32),
          pltpu.VMEM((CHUNK, 2, 128), jnp.bfloat16),
          pltpu.VMEM((CHUNK, 2, 128), jnp.bfloat16),
          pltpu.VMEM((CHUNK, 2, 128), jnp.bfloat16),
          pltpu.VMEM((CHUNK, 2, 128), jnp.bfloat16),
          pltpu.VMEM((CHUNK, 2, 128), jnp.float32),
          pltpu.VMEM((CHUNK, 2, 128), jnp.float32),
          pltpu.VMEM((8, 128), jnp.float32),
      ] + [pltpu.SemaphoreType.DMA] * 12,
  )
  out5 = kfn(x5, sos_2d, *tabs)
  return out5.transpose((1, 3, 0, 2, 4)).reshape(B, S + 1, OUT_D)

# --- scband reference (transcript-rebuilt; emitter-appended) ---
"""Pipeline reference for scband-input-embedding-53618371723743 (READ-ONLY COPY).

The authoritative reference and input builder live on the scoring server;
editing this copy changes nothing except your own understanding.
"""

import jax, jax.numpy as jnp
import numpy as np

N_WORDS = 1000
N_CODEBOOKS = [4, 4, 4]
EMB_DIMS = [512, 256, 256]
B, S = 16, 2048

def setup_inputs(seed: int = 0) -> dict:
    key = jax.random.key(seed)
    ks = jax.random.split(key, 2 + sum(N_CODEBOOKS))
    inp = {}
    inp['x'] = jax.random.randint(ks[0], (B, S, sum(N_CODEBOOKS)), 0, N_WORDS, dtype=jnp.int32)
    inp['sos'] = jax.random.normal(ks[1], (1, 1, sum(EMB_DIMS)), dtype=jnp.float32)
    kidx = 2
    for i in range(len(N_CODEBOOKS)):
        for j in range(N_CODEBOOKS[i]):
            inp['table_%d_%d' % (i, j)] = jax.random.normal(ks[kidx], (N_WORDS + 1, EMB_DIMS[i]), dtype=jnp.float32) * 0.02
            kidx += 1
    return inp

def reference(x, sos, table_0_0, table_0_1, table_0_2, table_0_3, table_1_0, table_1_1, table_1_2, table_1_3, table_2_0, table_2_1, table_2_2, table_2_3):
    tables = [[table_0_0, table_0_1, table_0_2, table_0_3],
              [table_1_0, table_1_1, table_1_2, table_1_3],
              [table_2_0, table_2_1, table_2_2, table_2_3]]
    n = 0
    outs = []
    for i in range(len(N_CODEBOOKS)):
        ind = x[:, :, n:n + N_CODEBOOKS[i]]
        n += N_CODEBOOKS[i]
        emb = 0.0
        for j in range(N_CODEBOOKS[i]):
            emb = emb + jnp.take(tables[i][j], ind[:, :, j], axis=0)
        outs.append(emb)
    out = jnp.concatenate(outs, axis=-1)
    sos_rep = jnp.broadcast_to(sos, (out.shape[0], 1, sos.shape[-1]))
    out = jnp.concatenate([sos_rep, out], axis=1)
    return out

if __name__ == "__main__":
    import jax
    _d = setup_inputs()
    print(jax.jit(kernel)(*tuple(_d.values())))

</pallas_src>

<mosaic_0001>
#map = affine_map<(d0, d1) -> (0, 0, 0, 0, 0)>
#map1 = affine_map<(d0, d1) -> (0, 0)>
#map2 = affine_map<(d0, d1) -> (0, 0, 0)>
module attributes {stable_mosaic.version = 14 : i64} {
  func.func @_sc_body(%arg0: i32, %arg1: i32, %arg2: memref<12x2x16x8x128xi32, #tpu.memory_space<hbm>>, %arg3: memref<8x128xf32, #tpu.memory_space<hbm>>, %arg4: memref<1001x4x128xbf16, #tpu.memory_space<hbm>>, %arg5: memref<1001x4x128xbf16, #tpu.memory_space<hbm>>, %arg6: memref<1001x4x128xbf16, #tpu.memory_space<hbm>>, %arg7: memref<1001x4x128xbf16, #tpu.memory_space<hbm>>, %arg8: memref<1001x2x128xbf16, #tpu.memory_space<hbm>>, %arg9: memref<1001x2x128xbf16, #tpu.memory_space<hbm>>, %arg10: memref<1001x2x128xbf16, #tpu.memory_space<hbm>>, %arg11: memref<1001x2x128xbf16, #tpu.memory_space<hbm>>, %arg12: memref<1001x2x128xbf16, #tpu.memory_space<hbm>>, %arg13: memref<1001x2x128xbf16, #tpu.memory_space<hbm>>, %arg14: memref<1001x2x128xbf16, #tpu.memory_space<hbm>>, %arg15: memref<1001x2x128xbf16, #tpu.memory_space<hbm>>, %arg16: memref<2049x2x8x8x128xf32, #tpu.memory_space<hbm>>, %arg17: memref<12x8x128xi32, #tpu.memory_space<vmem>>, %arg18: memref<32x4x128xbf16, #tpu.memory_space<vmem>>, %arg19: memref<32x4x128xbf16, #tpu.memory_space<vmem>>, %arg20: memref<32x4x128xbf16, #tpu.memory_space<vmem>>, %arg21: memref<32x4x128xbf16, #tpu.memory_space<vmem>>, %arg22: memref<32x4x128xf32, #tpu.memory_space<vmem>>, %arg23: memref<32x4x128xf32, #tpu.memory_space<vmem>>, %arg24: memref<32x2x128xbf16, #tpu.memory_space<vmem>>, %arg25: memref<32x2x128xbf16, #tpu.memory_space<vmem>>, %arg26: memref<32x2x128xbf16, #tpu.memory_space<vmem>>, %arg27: memref<32x2x128xbf16, #tpu.memory_space<vmem>>, %arg28: memref<32x2x128xf32, #tpu.memory_space<vmem>>, %arg29: memref<32x2x128xf32, #tpu.memory_space<vmem>>, %arg30: memref<8x128xf32, #tpu.memory_space<vmem>>, %arg31: memref<!tpu.dma_semaphore, #tpu.memory_space<semaphore_mem>>, %arg32: memref<!tpu.dma_semaphore, #tpu.memory_space<semaphore_mem>>, %arg33: memref<!tpu.dma_semaphore, #tpu.memory_space<semaphore_mem>>, %arg34: memref<!tpu.dma_semaphore, #tpu.memory_space<semaphore_mem>>, %arg35: memref<!tpu.dma_semaphore, #tpu.memory_space<semaphore_mem>>, %arg36: memref<!tpu.dma_semaphore, #tpu.memory_space<semaphore_mem>>, %arg37: memref<!tpu.dma_semaphore, #tpu.memory_space<semaphore_mem>>, %arg38: memref<!tpu.dma_semaphore, #tpu.memory_space<semaphore_mem>>, %arg39: memref<!tpu.dma_semaphore, #tpu.memory_space<semaphore_mem>>, %arg40: memref<!tpu.dma_semaphore, #tpu.memory_space<semaphore_mem>>, %arg41: memref<!tpu.dma_semaphore, #tpu.memory_space<semaphore_mem>>, %arg42: memref<!tpu.dma_semaphore, #tpu.memory_space<semaphore_mem>>) attributes {dimension_semantics = [#tpu.dimension_semantics<core_parallel>, #tpu.dimension_semantics<subcore_parallel>], iteration_bounds = array<i64: 2, 16>, scalar_prefetch = 0 : i64, scratch_operands = 26 : i64, tpu.core_type = #tpu.core_type<sc_vector_subcore>, window_params = [{transform_indices = #map}, {transform_indices = #map1}, {transform_indices = #map2}, {transform_indices = #map2}, {transform_indices = #map2}, {transform_indices = #map2}, {transform_indices = #map2}, {transform_indices = #map2}, {transform_indices = #map2}, {transform_indices = #map2}, {transform_indices = #map2}, {transform_indices = #map2}, {transform_indices = #map2}, {transform_indices = #map2}, {transform_indices = #map}]} {
    %mul3A = arith.constant 2 : i32
    %mul3A_0 = arith.muli %arg1, %mul3A : i32
    %add3A = arith.addi %mul3A_0, %arg0 : i32
    %jit3A = arith.constant 2 : i32
    %div3A = arith.divsi %add3A, %jit3A : i32
    %sign3A = arith.constant 0 : i32
    %sign3A_1 = arith.cmpi sgt, %add3A, %sign3A : i32
    %sign3A_2 = arith.extui %sign3A_1 : i1 to i32
    %sign3A_3 = arith.constant 0 : i32
    %sign3A_4 = arith.cmpi slt, %add3A, %sign3A_3 : i32
    %sign3A_5 = arith.extui %sign3A_4 : i1 to i32
    %sign3A_6 = arith.subi %sign3A_2, %sign3A_5 : i32
    %sign3A_7 = arith.constant 0 : i32
    %sign3A_8 = arith.cmpi sgt, %jit3A, %sign3A_7 : i32
    %sign3A_9 = arith.extui %sign3A_8 : i1 to i32
    %sign3A_10 = arith.constant 0 : i32
    %sign3A_11 = arith.cmpi slt, %jit3A, %sign3A_10 : i32
    %sign3A_12 = arith.extui %sign3A_11 : i1 to i32
    %sign3A_13 = arith.subi %sign3A_9, %sign3A_12 : i32
    %ne3A = arith.cmpi ne, %sign3A_6, %sign3A_13 : i32
    %rem3A = arith.remsi %add3A, %jit3A : i32
    %ne3A_14 = arith.constant 0 : i32
    %ne3A_15 = arith.cmpi ne, %rem3A, %ne3A_14 : i32
    %and3A = arith.andi %ne3A, %ne3A_15 : i1
    %sub3A = arith.constant 1 : i32
    %sub3A_16 = arith.subi %div3A, %sub3A : i32
    %select_n3A = arith.select %and3A, %sub3A_16, %div3A : i32
    %jit3A_17 = arith.constant 8 : i32
    %div3A_18 = arith.divsi %select_n3A, %jit3A_17 : i32
    %sign3A_19 = arith.constant 0 : i32
    %sign3A_20 = arith.cmpi sgt, %select_n3A, %sign3A_19 : i32
    %sign3A_21 = arith.extui %sign3A_20 : i1 to i32
    %sign3A_22 = arith.constant 0 : i32
    %sign3A_23 = arith.cmpi slt, %select_n3A, %sign3A_22 : i32
    %sign3A_24 = arith.extui %sign3A_23 : i1 to i32
    %sign3A_25 = arith.subi %sign3A_21, %sign3A_24 : i32
    %sign3A_26 = arith.constant 0 : i32
    %sign3A_27 = arith.cmpi sgt, %jit3A_17, %sign3A_26 : i32
    %sign3A_28 = arith.extui %sign3A_27 : i1 to i32
    %sign3A_29 = arith.constant 0 : i32
    %sign3A_30 = arith.cmpi slt, %jit3A_17, %sign3A_29 : i32
    %sign3A_31 = arith.extui %sign3A_30 : i1 to i32
    %sign3A_32 = arith.subi %sign3A_28, %sign3A_31 : i32
    %ne3A_33 = arith.cmpi ne, %sign3A_25, %sign3A_32 : i32
    %rem3A_34 = arith.remsi %select_n3A, %jit3A_17 : i32
    %ne3A_35 = arith.constant 0 : i32
    %ne3A_36 = arith.cmpi ne, %rem3A_34, %ne3A_35 : i32
    %and3A_37 = arith.andi %ne3A_33, %ne3A_36 : i1
    %sub3A_38 = arith.constant 1 : i32
    %sub3A_39 = arith.subi %div3A_18, %sub3A_38 : i32
    %select_n3A_40 = arith.select %and3A_37, %sub3A_39, %div3A_18 : i32
    %jit3A_41 = arith.constant 8 : i32
    %eq3A = arith.constant 0 : i32
    %eq3A_42 = arith.cmpi eq, %jit3A_41, %eq3A : i32
    %jit3A_43 = arith.constant 1 : i32
    %select_n3A_44 = arith.select %eq3A_42, %jit3A_43, %jit3A_41 : i32
    %rem3A_45 = arith.remsi %select_n3A, %select_n3A_44 : i32
    %ne3A_46 = arith.constant 0 : i32
    %ne3A_47 = arith.cmpi ne, %rem3A_45, %ne3A_46 : i32
    %lt3A = arith.constant 0 : i32
    %lt3A_48 = arith.cmpi slt, %rem3A_45, %lt3A : i32
    %lt3A_49 = arith.constant 0 : i32
    %lt3A_50 = arith.cmpi slt, %select_n3A_44, %lt3A_49 : i32
    %ne3A_51 = arith.xori %lt3A_48, %lt3A_50 : i1
    %and3A_52 = arith.andi %ne3A_51, %ne3A_47 : i1
    %add3A_53 = arith.addi %rem3A_45, %select_n3A_44 : i32
    %select_n3A_54 = arith.select %and3A_52, %add3A_53, %rem3A_45 : i32
    %jit3A_55 = arith.constant 2 : i32
    %eq3A_56 = arith.constant 0 : i32
    %eq3A_57 = arith.cmpi eq, %jit3A_55, %eq3A_56 : i32
    %jit3A_58 = arith.constant 1 : i32
    %select_n3A_59 = arith.select %eq3A_57, %jit3A_58, %jit3A_55 : i32
    %rem3A_60 = arith.remsi %add3A, %select_n3A_59 : i32
    %ne3A_61 = arith.constant 0 : i32
    %ne3A_62 = arith.cmpi ne, %rem3A_60, %ne3A_61 : i32
    %lt3A_63 = arith.constant 0 : i32
    %lt3A_64 = arith.cmpi slt, %rem3A_60, %lt3A_63 : i32
    %lt3A_65 = arith.constant 0 : i32
    %lt3A_66 = arith.cmpi slt, %select_n3A_59, %lt3A_65 : i32
    %ne3A_67 = arith.xori %lt3A_64, %lt3A_66 : i1
    %and3A_68 = arith.andi %ne3A_67, %ne3A_62 : i1
    %add3A_69 = arith.addi %rem3A_60, %select_n3A_59 : i32
    %select_n3A_70 = arith.select %and3A_68, %add3A_69, %rem3A_60 : i32
    %mul3A_71 = arith.constant 1024 : i32
    %mul3A_72 = arith.muli %select_n3A_70, %mul3A_71 : i32
    %iota3A = tpu.iota {dimensions = array<i32: 0>} : vector<16xi32>
    %mul3A_73 = arith.constant 2 : i32
    %mul3A_74 = vector.broadcast %mul3A_73 : i32 to vector<16xi32>
    %mul3A_75 = arith.muli %iota3A, %mul3A_74 : vector<16xi32>
    %add3A_76 = arith.constant 1 : i32
    %add3A_77 = vector.broadcast %add3A_76 : i32 to vector<16xi32>
    %add3A_78 = arith.addi %mul3A_75, %add3A_77 : vector<16xi32>
    %mul3A_79 = arith.constant 8 : i32
    %mul3A_80 = arith.muli %select_n3A_70, %mul3A_79 : i32
    "tpu.region"() ({
      %run_scoped3A = tpu.sem_alloc : memref<!tpu.dma_semaphore, #tpu.memory_space<semaphore_mem>>
      %dma_start3A_225 = arith.constant 0 : i32
      %dma_start3A_226 = arith.constant 0 : i32
      %dma_start3A_227 = tpu.memref_slice %arg2[%dma_start3A_225, %select_n3A_40, %mul3A_80, %select_n3A_54, %dma_start3A_226] : memref<12x2x16x8x128xi32, #tpu.memory_space<hbm>> -> memref<12x1x8x1x128xi32, #tpu.memory_space<hbm>>
      %dma_start3A_228 = tpu.memref_squeeze %dma_start3A_227 : memref<12x1x8x1x128xi32, #tpu.memory_space<hbm>> -> memref<12x8x128xi32, #tpu.memory_space<hbm>>
      %dma_start3A_229 = arith.constant 0 : i32
      %dma_start3A_230 = arith.constant 0 : i32
      %dma_start3A_231 = tpu.memref_slice %arg2[%dma_start3A_229, %select_n3A_40, %mul3A_80, %select_n3A_54, %dma_start3A_230] : memref<12x2x16x8x128xi32, #tpu.memory_space<hbm>> -> memref<12x1x8x1x128xi32, #tpu.memory_space<hbm>>
      %dma_start3A_232 = tpu.memref_squeeze %dma_start3A_231 : memref<12x1x8x1x128xi32, #tpu.memory_space<hbm>> -> memref<12x8x128xi32, #tpu.memory_space<hbm>>
      tpu.enqueue_dma source(%dma_start3A_232 : memref<12x8x128xi32, #tpu.memory_space<hbm>>) target(%arg17 : memref<12x8x128xi32, #tpu.memory_space<vmem>>) target_semaphore(%run_scoped3A : memref<!tpu.dma_semaphore, #tpu.memory_space<semaphore_mem>>)
      %dma_wait3A_233 = arith.constant 0 : i32
      %dma_wait3A_234 = arith.constant 0 : i32
      %dma_wait3A_235 = tpu.memref_slice %arg2[%dma_wait3A_233, %select_n3A_40, %mul3A_80, %select_n3A_54, %dma_wait3A_234] : memref<12x2x16x8x128xi32, #tpu.memory_space<hbm>> -> memref<12x1x8x1x128xi32, #tpu.memory_space<hbm>>
      %dma_wait3A_236 = tpu.memref_squeeze %dma_wait3A_235 : memref<12x1x8x1x128xi32, #tpu.memory_space<hbm>> -> memref<12x8x128xi32, #tpu.memory_space<hbm>>
      %dma_wait3A_237 = arith.constant 0 : i32
      %dma_wait3A_238 = arith.constant 0 : i32
      %dma_wait3A_239 = tpu.memref_slice %arg2[%dma_wait3A_237, %select_n3A_40, %mul3A_80, %select_n3A_54, %dma_wait3A_238] : memref<12x2x16x8x128xi32, #tpu.memory_space<hbm>> -> memref<12x1x8x1x128xi32, #tpu.memory_space<hbm>>
      %dma_wait3A_240 = tpu.memref_squeeze %dma_wait3A_239 : memref<12x1x8x1x128xi32, #tpu.memory_space<hbm>> -> memref<12x8x128xi32, #tpu.memory_space<hbm>>
      tpu.wait_dma2 semaphore(%run_scoped3A : memref<!tpu.dma_semaphore, #tpu.memory_space<semaphore_mem>>) src(%dma_wait3A_240 : memref<12x8x128xi32, #tpu.memory_space<hbm>>) dst(%arg17 : memref<12x8x128xi32, #tpu.memory_space<vmem>>)
      tpu.yield
    }) : () -> ()
    "tpu.region"() ({
      %run_scoped3A = tpu.sem_alloc : memref<!tpu.dma_semaphore, #tpu.memory_space<semaphore_mem>>
      tpu.enqueue_dma source(%arg3 : memref<8x128xf32, #tpu.memory_space<hbm>>) target(%arg30 : memref<8x128xf32, #tpu.memory_space<vmem>>) target_semaphore(%run_scoped3A : memref<!tpu.dma_semaphore, #tpu.memory_space<semaphore_mem>>)
      tpu.wait_dma2 semaphore(%run_scoped3A : memref<!tpu.dma_semaphore, #tpu.memory_space<semaphore_mem>>) src(%arg3 : memref<8x128xf32, #tpu.memory_space<hbm>>) dst(%arg30 : memref<8x128xf32, #tpu.memory_space<vmem>>)
      tpu.yield
    }) : () -> ()
    %eq3A_81 = arith.constant 0 : i32
    %eq3A_82 = arith.cmpi eq, %select_n3A_70, %eq3A_81 : i32
    %convert_element_type3A = arith.extui %eq3A_82 : i1 to i32
    %cond3A = arith.constant 0 : i32
    %cond3A_83 = arith.cmpi ne, %convert_element_type3A, %cond3A : i32
    scf.if %cond3A_83 {
      %run_scoped3A = arith.constant 0 : i32
      "tpu.region"() ({
        %run_scoped3A_225 = tpu.sem_alloc : memref<!tpu.dma_semaphore, #tpu.memory_space<semaphore_mem>>
        %dma_start3A_226 = arith.constant 0 : i32
        %dma_start3A_227 = arith.constant 0 : i32
        %dma_start3A_228 = tpu.memref_slice %arg16[%run_scoped3A, %select_n3A_40, %dma_start3A_226, %select_n3A_54, %dma_start3A_227] : memref<2049x2x8x8x128xf32, #tpu.memory_space<hbm>> -> memref<1x1x8x1x128xf32, #tpu.memory_space<hbm>>
        %dma_start3A_229 = tpu.memref_squeeze %dma_start3A_228 : memref<1x1x8x1x128xf32, #tpu.memory_space<hbm>> -> memref<8x128xf32, #tpu.memory_space<hbm>>
        %dma_start3A_230 = arith.constant 0 : i32
        %dma_start3A_231 = arith.constant 0 : i32
        %dma_start3A_232 = tpu.memref_slice %arg16[%run_scoped3A, %select_n3A_40, %dma_start3A_230, %select_n3A_54, %dma_start3A_231] : memref<2049x2x8x8x128xf32, #tpu.memory_space<hbm>> -> memref<1x1x8x1x128xf32, #tpu.memory_space<hbm>>
        %dma_start3A_233 = tpu.memref_squeeze %dma_start3A_232 : memref<1x1x8x1x128xf32, #tpu.memory_space<hbm>> -> memref<8x128xf32, #tpu.memory_space<hbm>>
        tpu.enqueue_dma source(%arg30 : memref<8x128xf32, #tpu.memory_space<vmem>>) target(%dma_start3A_233 : memref<8x128xf32, #tpu.memory_space<hbm>>) target_semaphore(%run_scoped3A_225 : memref<!tpu.dma_semaphore, #tpu.memory_space<semaphore_mem>>)
        %dma_wait3A_234 = arith.constant 0 : i32
        %dma_wait3A_235 = arith.constant 0 : i32
        %dma_wait3A_236 = tpu.memref_slice %arg16[%run_scoped3A, %select_n3A_40, %dma_wait3A_234, %select_n3A_54, %dma_wait3A_235] : memref<2049x2x8x8x128xf32, #tpu.memory_space<hbm>> -> memref<1x1x8x1x128xf32, #tpu.memory_space<hbm>>
        %dma_wait3A_237 = tpu.memref_squeeze %dma_wait3A_236 : memref<1x1x8x1x128xf32, #tpu.memory_space<hbm>> -> memref<8x128xf32, #tpu.memory_space<hbm>>
        %dma_wait3A_238 = arith.constant 0 : i32
        %dma_wait3A_239 = arith.constant 0 : i32
        %dma_wait3A_240 = tpu.memref_slice %arg16[%run_scoped3A, %select_n3A_40, %dma_wait3A_238, %select_n3A_54, %dma_wait3A_239] : memref<2049x2x8x8x128xf32, #tpu.memory_space<hbm>> -> memref<1x1x8x1x128xf32, #tpu.memory_space<hbm>>
        %dma_wait3A_241 = tpu.memref_squeeze %dma_wait3A_240 : memref<1x1x8x1x128xf32, #tpu.memory_space<hbm>> -> memref<8x128xf32, #tpu.memory_space<hbm>>
        tpu.wait_dma2 semaphore(%run_scoped3A_225 : memref<!tpu.dma_semaphore, #tpu.memory_space<semaphore_mem>>) src(%arg30 : memref<8x128xf32, #tpu.memory_space<vmem>>) dst(%dma_wait3A_241 : memref<8x128xf32, #tpu.memory_space<hbm>>)
        tpu.yield
      }) : () -> ()
    } else {
    }
    %dma_start3A = arith.constant 0 : i32
    %dma_start3A_84 = arith.constant 0 : i32
    %dma_start3A_85 = arith.constant 0 : i32
    %dma_start3A_86 = tpu.memref_slice %arg17[%dma_start3A, %dma_start3A_84, %dma_start3A_85] : memref<12x8x128xi32, #tpu.memory_space<vmem>> -> memref<1x1x32xi32, #tpu.memory_space<vmem>>
    %dma_start3A_87 = tpu.memref_squeeze %dma_start3A_86 : memref<1x1x32xi32, #tpu.memory_space<vmem>> -> memref<32xi32, #tpu.memory_space<vmem>>
    %dma_start3A_88 = arith.constant 0 : i32
    %dma_start3A_89 = arith.constant 0 : i32
    %dma_start3A_90 = arith.constant 0 : i32
    %dma_start3A_91 = tpu.memref_slice %arg4[%dma_start3A_88, %dma_start3A_89, %dma_start3A_90] : memref<1001x4x128xbf16, #tpu.memory_space<hbm>> -> memref<1001x4x128xbf16, #tpu.memory_space<hbm>>
    tpu.enqueue_indirect_dma source(%dma_start3A_91 : memref<1001x4x128xbf16, #tpu.memory_space<hbm>>) target(%arg18 : memref<32x4x128xbf16, #tpu.memory_space<vmem>>) offsets(%dma_start3A_87 : memref<32xi32, #tpu.memory_space<vmem>>) semaphore(%arg31 : memref<!tpu.dma_semaphore, #tpu.memory_space<semaphore_mem>>)
    %dma_start3A_92 = arith.constant 1 : i32
    %dma_start3A_93 = arith.constant 0 : i32
    %dma_start3A_94 = arith.constant 0 : i32
    %dma_start3A_95 = tpu.memref_slice %arg17[%dma_start3A_92, %dma_start3A_93, %dma_start3A_94] : memref<12x8x128xi32, #tpu.memory_space<vmem>> -> memref<1x1x32xi32, #tpu.memory_space<vmem>>
    %dma_start3A_96 = tpu.memref_squeeze %dma_start3A_95 : memref<1x1x32xi32, #tpu.memory_space<vmem>> -> memref<32xi32, #tpu.memory_space<vmem>>
    %dma_start3A_97 = arith.constant 0 : i32
    %dma_start3A_98 = arith.constant 0 : i32
    %dma_start3A_99 = arith.constant 0 : i32
    %dma_start3A_100 = tpu.memref_slice %arg5[%dma_start3A_97, %dma_start3A_98, %dma_start3A_99] : memref<1001x4x128xbf16, #tpu.memory_space<hbm>> -> memref<1001x4x128xbf16, #tpu.memory_space<hbm>>
    tpu.enqueue_indirect_dma source(%dma_start3A_100 : memref<1001x4x128xbf16, #tpu.memory_space<hbm>>) target(%arg19 : memref<32x4x128xbf16, #tpu.memory_space<vmem>>) offsets(%dma_start3A_96 : memref<32xi32, #tpu.memory_space<vmem>>) semaphore(%arg32 : memref<!tpu.dma_semaphore, #tpu.memory_space<semaphore_mem>>)
    %scan3A = arith.constant 0 : i32
    %scan3A_101 = arith.constant 0 : i32
    %scan3A_102 = arith.constant 16 : i32
    %scan3A_103 = arith.addi %scan3A_101, %scan3A_102 : i32
    %scan3A_104 = arith.constant 1 : i32
    scf.for %scan3A_225 = %scan3A_101 to %scan3A_103 step %scan3A_104  : i32 {
      %mul3A_226 = arith.constant 2 : i32
      %mul3A_227 = arith.muli %mul3A_226, %scan3A_225 : i32
      %dma_wait3A_228 = arith.constant 0 : i32
      %dma_wait3A_229 = arith.constant 0 : i32
      %dma_wait3A_230 = arith.constant 0 : i32
      %dma_wait3A_231 = tpu.memref_slice %arg4[%dma_wait3A_228, %dma_wait3A_229, %dma_wait3A_230] : memref<1001x4x128xbf16, #tpu.memory_space<hbm>> -> memref<32x4x128xbf16, #tpu.memory_space<hbm>>
      %dma_wait3A_232 = arith.constant 0 : i32
      %dma_wait3A_233 = arith.constant 0 : i32
      %dma_wait3A_234 = arith.constant 0 : i32
      %dma_wait3A_235 = tpu.memref_slice %arg4[%dma_wait3A_232, %dma_wait3A_233, %dma_wait3A_234] : memref<1001x4x128xbf16, #tpu.memory_space<hbm>> -> memref<32x4x128xbf16, #tpu.memory_space<hbm>>
      tpu.wait_dma2 semaphore(%arg31 : memref<!tpu.dma_semaphore, #tpu.memory_space<semaphore_mem>>) src(%dma_wait3A_235 : memref<32x4x128xbf16, #tpu.memory_space<hbm>>) dst(%arg18 : memref<32x4x128xbf16, #tpu.memory_space<vmem>>)
      %dma_wait3A_236 = arith.constant 0 : i32
      %dma_wait3A_237 = arith.constant 0 : i32
      %dma_wait3A_238 = arith.constant 0 : i32
      %dma_wait3A_239 = tpu.memref_slice %arg4[%dma_wait3A_236, %dma_wait3A_237, %dma_wait3A_238] : memref<1001x4x128xbf16, #tpu.memory_space<hbm>> -> memref<32x4x128xbf16, #tpu.memory_space<hbm>>
      %dma_wait3A_240 = arith.constant 0 : i32
      %dma_wait3A_241 = arith.constant 0 : i32
      %dma_wait3A_242 = arith.constant 0 : i32
      %dma_wait3A_243 = tpu.memref_slice %arg4[%dma_wait3A_240, %dma_wait3A_241, %dma_wait3A_242] : memref<1001x4x128xbf16, #tpu.memory_space<hbm>> -> memref<32x4x128xbf16, #tpu.memory_space<hbm>>
      tpu.wait_dma2 semaphore(%arg32 : memref<!tpu.dma_semaphore, #tpu.memory_space<semaphore_mem>>) src(%dma_wait3A_243 : memref<32x4x128xbf16, #tpu.memory_space<hbm>>) dst(%arg19 : memref<32x4x128xbf16, #tpu.memory_space<vmem>>)
      %jit3A_244 = arith.constant 4 : i32
      %div3A_245 = arith.divsi %mul3A_227, %jit3A_244 : i32
      %sign3A_246 = arith.constant 0 : i32
      %sign3A_247 = arith.cmpi sgt, %mul3A_227, %sign3A_246 : i32
      %sign3A_248 = arith.extui %sign3A_247 : i1 to i32
      %sign3A_249 = arith.constant 0 : i32
      %sign3A_250 = arith.cmpi slt, %mul3A_227, %sign3A_249 : i32
      %sign3A_251 = arith.extui %sign3A_250 : i1 to i32
      %sign3A_252 = arith.subi %sign3A_248, %sign3A_251 : i32
      %sign3A_253 = arith.constant 0 : i32
      %sign3A_254 = arith.cmpi sgt, %jit3A_244, %sign3A_253 : i32
      %sign3A_255 = arith.extui %sign3A_254 : i1 to i32
      %sign3A_256 = arith.constant 0 : i32
      %sign3A_257 = arith.cmpi slt, %jit3A_244, %sign3A_256 : i32
      %sign3A_258 = arith.extui %sign3A_257 : i1 to i32
      %sign3A_259 = arith.subi %sign3A_255, %sign3A_258 : i32
      %ne3A_260 = arith.cmpi ne, %sign3A_252, %sign3A_259 : i32
      %rem3A_261 = arith.remsi %mul3A_227, %jit3A_244 : i32
      %ne3A_262 = arith.constant 0 : i32
      %ne3A_263 = arith.cmpi ne, %rem3A_261, %ne3A_262 : i32
      %and3A_264 = arith.andi %ne3A_260, %ne3A_263 : i1
      %sub3A_265 = arith.constant 1 : i32
      %sub3A_266 = arith.subi %div3A_245, %sub3A_265 : i32
      %select_n3A_267 = arith.select %and3A_264, %sub3A_266, %div3A_245 : i32
      %jit3A_268 = arith.constant 4 : i32
      %eq3A_269 = arith.constant 0 : i32
      %eq3A_270 = arith.cmpi eq, %jit3A_268, %eq3A_269 : i32
      %jit3A_271 = arith.constant 1 : i32
      %select_n3A_272 = arith.select %eq3A_270, %jit3A_271, %jit3A_268 : i32
      %rem3A_273 = arith.remsi %mul3A_227, %select_n3A_272 : i32
      %ne3A_274 = arith.constant 0 : i32
      %ne3A_275 = arith.cmpi ne, %rem3A_273, %ne3A_274 : i32
      %lt3A_276 = arith.constant 0 : i32
      %lt3A_277 = arith.cmpi slt, %rem3A_273, %lt3A_276 : i32
      %lt3A_278 = arith.constant 0 : i32
      %lt3A_279 = arith.cmpi slt, %select_n3A_272, %lt3A_278 : i32
      %ne3A_280 = arith.xori %lt3A_277, %lt3A_279 : i1
      %and3A_281 = arith.andi %ne3A_280, %ne3A_275 : i1
      %add3A_282 = arith.addi %rem3A_273, %select_n3A_272 : i32
      %select_n3A_283 = arith.select %and3A_281, %add3A_282, %rem3A_273 : i32
      %mul3A_284 = arith.constant 32 : i32
      %mul3A_285 = arith.muli %select_n3A_283, %mul3A_284 : i32
      %dma_start3A_286 = arith.constant 2 : i32
      %dma_start3A_287 = tpu.memref_slice %arg17[%dma_start3A_286, %select_n3A_267, %mul3A_285] : memref<12x8x128xi32, #tpu.memory_space<vmem>> -> memref<1x1x32xi32, #tpu.memory_space<vmem>>
      %dma_start3A_288 = tpu.memref_squeeze %dma_start3A_287 : memref<1x1x32xi32, #tpu.memory_space<vmem>> -> memref<32xi32, #tpu.memory_space<vmem>>
      %dma_start3A_289 = arith.constant 0 : i32
      %dma_start3A_290 = arith.constant 0 : i32
      %dma_start3A_291 = arith.constant 0 : i32
      %dma_start3A_292 = tpu.memref_slice %arg6[%dma_start3A_289, %dma_start3A_290, %dma_start3A_291] : memref<1001x4x128xbf16, #tpu.memory_space<hbm>> -> memref<1001x4x128xbf16, #tpu.memory_space<hbm>>
      tpu.enqueue_indirect_dma source(%dma_start3A_292 : memref<1001x4x128xbf16, #tpu.memory_space<hbm>>) target(%arg20 : memref<32x4x128xbf16, #tpu.memory_space<vmem>>) offsets(%dma_start3A_288 : memref<32xi32, #tpu.memory_space<vmem>>) semaphore(%arg33 : memref<!tpu.dma_semaphore, #tpu.memory_space<semaphore_mem>>)
      %jit3A_293 = arith.constant 4 : i32
      %div3A_294 = arith.divsi %mul3A_227, %jit3A_293 : i32
      %sign3A_295 = arith.constant 0 : i32
      %sign3A_296 = arith.cmpi sgt, %mul3A_227, %sign3A_295 : i32
      %sign3A_297 = arith.extui %sign3A_296 : i1 to i32
      %sign3A_298 = arith.constant 0 : i32
      %sign3A_299 = arith.cmpi slt, %mul3A_227, %sign3A_298 : i32
      %sign3A_300 = arith.extui %sign3A_299 : i1 to i32
      %sign3A_301 = arith.subi %sign3A_297, %sign3A_300 : i32
      %sign3A_302 = arith.constant 0 : i32
      %sign3A_303 = arith.cmpi sgt, %jit3A_293, %sign3A_302 : i32
      %sign3A_304 = arith.extui %sign3A_303 : i1 to i32
      %sign3A_305 = arith.constant 0 : i32
      %sign3A_306 = arith.cmpi slt, %jit3A_293, %sign3A_305 : i32
      %sign3A_307 = arith.extui %sign3A_306 : i1 to i32
      %sign3A_308 = arith.subi %sign3A_304, %sign3A_307 : i32
      %ne3A_309 = arith.cmpi ne, %sign3A_301, %sign3A_308 : i32
      %rem3A_310 = arith.remsi %mul3A_227, %jit3A_293 : i32
      %ne3A_311 = arith.constant 0 : i32
      %ne3A_312 = arith.cmpi ne, %rem3A_310, %ne3A_311 : i32
      %and3A_313 = arith.andi %ne3A_309, %ne3A_312 : i1
      %sub3A_314 = arith.constant 1 : i32
      %sub3A_315 = arith.subi %div3A_294, %sub3A_314 : i32
      %select_n3A_316 = arith.select %and3A_313, %sub3A_315, %div3A_294 : i32
      %jit3A_317 = arith.constant 4 : i32
      %eq3A_318 = arith.constant 0 : i32
      %eq3A_319 = arith.cmpi eq, %jit3A_317, %eq3A_318 : i32
      %jit3A_320 = arith.constant 1 : i32
      %select_n3A_321 = arith.select %eq3A_319, %jit3A_320, %jit3A_317 : i32
      %rem3A_322 = arith.remsi %mul3A_227, %select_n3A_321 : i32
      %ne3A_323 = arith.constant 0 : i32
      %ne3A_324 = arith.cmpi ne, %rem3A_322, %ne3A_323 : i32
      %lt3A_325 = arith.constant 0 : i32
      %lt3A_326 = arith.cmpi slt, %rem3A_322, %lt3A_325 : i32
      %lt3A_327 = arith.constant 0 : i32
      %lt3A_328 = arith.cmpi slt, %select_n3A_321, %lt3A_327 : i32
      %ne3A_329 = arith.xori %lt3A_326, %lt3A_328 : i1
      %and3A_330 = arith.andi %ne3A_329, %ne3A_324 : i1
      %add3A_331 = arith.addi %rem3A_322, %select_n3A_321 : i32
      %select_n3A_332 = arith.select %and3A_330, %add3A_331, %rem3A_322 : i32
      %mul3A_333 = arith.constant 32 : i32
      %mul3A_334 = arith.muli %select_n3A_332, %mul3A_333 : i32
      %dma_start3A_335 = arith.constant 3 : i32
      %dma_start3A_336 = tpu.memref_slice %arg17[%dma_start3A_335, %select_n3A_316, %mul3A_334] : memref<12x8x128xi32, #tpu.memory_space<vmem>> -> memref<1x1x32xi32, #tpu.memory_space<vmem>>
      %dma_start3A_337 = tpu.memref_squeeze %dma_start3A_336 : memref<1x1x32xi32, #tpu.memory_space<vmem>> -> memref<32xi32, #tpu.memory_space<vmem>>
      %dma_start3A_338 = arith.constant 0 : i32
      %dma_start3A_339 = arith.constant 0 : i32
      %dma_start3A_340 = arith.constant 0 : i32
      %dma_start3A_341 = tpu.memref_slice %arg7[%dma_start3A_338, %dma_start3A_339, %dma_start3A_340] : memref<1001x4x128xbf16, #tpu.memory_space<hbm>> -> memref<1001x4x128xbf16, #tpu.memory_space<hbm>>
      tpu.enqueue_indirect_dma source(%dma_start3A_341 : memref<1001x4x128xbf16, #tpu.memory_space<hbm>>) target(%arg21 : memref<32x4x128xbf16, #tpu.memory_space<vmem>>) offsets(%dma_start3A_337 : memref<32xi32, #tpu.memory_space<vmem>>) semaphore(%arg34 : memref<!tpu.dma_semaphore, #tpu.memory_space<semaphore_mem>>)
      %ge3A = arith.constant 2 : i32
      %ge3A_342 = arith.cmpi sge, %mul3A_227, %ge3A : i32
      %convert_element_type3A_343 = arith.extui %ge3A_342 : i1 to i32
      %cond3A_344 = arith.constant 0 : i32
      %cond3A_345 = arith.cmpi ne, %convert_element_type3A_343, %cond3A_344 : i32
      scf.if %cond3A_345 {
        %add3A_537 = arith.constant 1 : i32
        %add3A_538 = arith.addi %add3A_537, %mul3A_72 : i32
        %add3A_539 = arith.constant 0 : i32
        %add3A_540 = arith.addi %add3A_538, %add3A_539 : i32
        %dma_wait3A_541 = arith.constant 0 : i32
        %dma_wait3A_542 = arith.constant 0 : i32
        %dma_wait3A_543 = tpu.memref_slice %arg16[%add3A_540, %select_n3A_40, %dma_wait3A_541, %select_n3A_54, %dma_wait3A_542] : memref<2049x2x8x8x128xf32, #tpu.memory_space<hbm>> -> memref<32x1x4x1x128xf32, #tpu.memory_space<hbm>>
        %dma_wait3A_544 = tpu.memref_squeeze %dma_wait3A_543 : memref<32x1x4x1x128xf32, #tpu.memory_space<hbm>> -> memref<32x4x128xf32, #tpu.memory_space<hbm>>
        %dma_wait3A_545 = arith.constant 0 : i32
        %dma_wait3A_546 = arith.constant 0 : i32
        %dma_wait3A_547 = tpu.memref_slice %arg16[%add3A_540, %select_n3A_40, %dma_wait3A_545, %select_n3A_54, %dma_wait3A_546] : memref<2049x2x8x8x128xf32, #tpu.memory_space<hbm>> -> memref<32x1x4x1x128xf32, #tpu.memory_space<hbm>>
        %dma_wait3A_548 = tpu.memref_squeeze %dma_wait3A_547 : memref<32x1x4x1x128xf32, #tpu.memory_space<hbm>> -> memref<32x4x128xf32, #tpu.memory_space<hbm>>
        tpu.wait_dma2 semaphore(%arg35 : memref<!tpu.dma_semaphore, #tpu.memory_space<semaphore_mem>>) src(%arg22 : memref<32x4x128xf32, #tpu.memory_space<vmem>>) dst(%dma_wait3A_548 : memref<32x4x128xf32, #tpu.memory_space<hbm>>)
      } else {
      }
      %dma_wait3A_346 = arith.constant 0 : i32
      %dma_wait3A_347 = arith.constant 0 : i32
      %dma_wait3A_348 = arith.constant 0 : i32
      %dma_wait3A_349 = tpu.memref_slice %arg4[%dma_wait3A_346, %dma_wait3A_347, %dma_wait3A_348] : memref<1001x4x128xbf16, #tpu.memory_space<hbm>> -> memref<32x4x128xbf16, #tpu.memory_space<hbm>>
      %dma_wait3A_350 = arith.constant 0 : i32
      %dma_wait3A_351 = arith.constant 0 : i32
      %dma_wait3A_352 = arith.constant 0 : i32
      %dma_wait3A_353 = tpu.memref_slice %arg4[%dma_wait3A_350, %dma_wait3A_351, %dma_wait3A_352] : memref<1001x4x128xbf16, #tpu.memory_space<hbm>> -> memref<32x4x128xbf16, #tpu.memory_space<hbm>>
      tpu.wait_dma2 semaphore(%arg33 : memref<!tpu.dma_semaphore, #tpu.memory_space<semaphore_mem>>) src(%dma_wait3A_353 : memref<32x4x128xbf16, #tpu.memory_space<hbm>>) dst(%arg20 : memref<32x4x128xbf16, #tpu.memory_space<vmem>>)
      %dma_wait3A_354 = arith.constant 0 : i32
      %dma_wait3A_355 = arith.constant 0 : i32
      %dma_wait3A_356 = arith.constant 0 : i32
      %dma_wait3A_357 = tpu.memref_slice %arg4[%dma_wait3A_354, %dma_wait3A_355, %dma_wait3A_356] : memref<1001x4x128xbf16, #tpu.memory_space<hbm>> -> memref<32x4x128xbf16, #tpu.memory_space<hbm>>
      %dma_wait3A_358 = arith.constant 0 : i32
      %dma_wait3A_359 = arith.constant 0 : i32
      %dma_wait3A_360 = arith.constant 0 : i32
      %dma_wait3A_361 = tpu.memref_slice %arg4[%dma_wait3A_358, %dma_wait3A_359, %dma_wait3A_360] : memref<1001x4x128xbf16, #tpu.memory_space<hbm>> -> memref<32x4x128xbf16, #tpu.memory_space<hbm>>
      tpu.wait_dma2 semaphore(%arg34 : memref<!tpu.dma_semaphore, #tpu.memory_space<semaphore_mem>>) src(%dma_wait3A_361 : memref<32x4x128xbf16, #tpu.memory_space<hbm>>) dst(%arg21 : memref<32x4x128xbf16, #tpu.memory_space<vmem>>)
      %lt3A_362 = arith.constant 31 : i32
      %lt3A_363 = arith.cmpi slt, %mul3A_227, %lt3A_362 : i32
      %convert_element_type3A_364 = arith.extui %lt3A_363 : i1 to i32
      %cond3A_365 = arith.constant 0 : i32
      %cond3A_366 = arith.cmpi ne, %convert_element_type3A_364, %cond3A_365 : i32
      scf.if %cond3A_366 {
        %add3A_537 = arith.constant 1 : i32
        %add3A_538 = arith.addi %mul3A_227, %add3A_537 : i32
        %jit3A_539 = arith.constant 4 : i32
        %div3A_540 = arith.divsi %add3A_538, %jit3A_539 : i32
        %sign3A_541 = arith.constant 0 : i32
        %sign3A_542 = arith.cmpi sgt, %add3A_538, %sign3A_541 : i32
        %sign3A_543 = arith.extui %sign3A_542 : i1 to i32
        %sign3A_544 = arith.constant 0 : i32
        %sign3A_545 = arith.cmpi slt, %add3A_538, %sign3A_544 : i32
        %sign3A_546 = arith.extui %sign3A_545 : i1 to i32
        %sign3A_547 = arith.subi %sign3A_543, %sign3A_546 : i32
        %sign3A_548 = arith.constant 0 : i32
        %sign3A_549 = arith.cmpi sgt, %jit3A_539, %sign3A_548 : i32
        %sign3A_550 = arith.extui %sign3A_549 : i1 to i32
        %sign3A_551 = arith.constant 0 : i32
        %sign3A_552 = arith.cmpi slt, %jit3A_539, %sign3A_551 : i32
        %sign3A_553 = arith.extui %sign3A_552 : i1 to i32
        %sign3A_554 = arith.subi %sign3A_550, %sign3A_553 : i32
        %ne3A_555 = arith.cmpi ne, %sign3A_547, %sign3A_554 : i32
        %rem3A_556 = arith.remsi %add3A_538, %jit3A_539 : i32
        %ne3A_557 = arith.constant 0 : i32
        %ne3A_558 = arith.cmpi ne, %rem3A_556, %ne3A_557 : i32
        %and3A_559 = arith.andi %ne3A_555, %ne3A_558 : i1
        %sub3A_560 = arith.constant 1 : i32
        %sub3A_561 = arith.subi %div3A_540, %sub3A_560 : i32
        %select_n3A_562 = arith.select %and3A_559, %sub3A_561, %div3A_540 : i32
        %jit3A_563 = arith.constant 4 : i32
        %eq3A_564 = arith.constant 0 : i32
        %eq3A_565 = arith.cmpi eq, %jit3A_563, %eq3A_564 : i32
        %jit3A_566 = arith.constant 1 : i32
        %select_n3A_567 = arith.select %eq3A_565, %jit3A_566, %jit3A_563 : i32
        %rem3A_568 = arith.remsi %add3A_538, %select_n3A_567 : i32
        %ne3A_569 = arith.constant 0 : i32
        %ne3A_570 = arith.cmpi ne, %rem3A_568, %ne3A_569 : i32
        %lt3A_571 = arith.constant 0 : i32
        %lt3A_572 = arith.cmpi slt, %rem3A_568, %lt3A_571 : i32
        %lt3A_573 = arith.constant 0 : i32
        %lt3A_574 = arith.cmpi slt, %select_n3A_567, %lt3A_573 : i32
        %ne3A_575 = arith.xori %lt3A_572, %lt3A_574 : i1
        %and3A_576 = arith.andi %ne3A_575, %ne3A_570 : i1
        %add3A_577 = arith.addi %rem3A_568, %select_n3A_567 : i32
        %select_n3A_578 = arith.select %and3A_576, %add3A_577, %rem3A_568 : i32
        %mul3A_579 = arith.constant 32 : i32
        %mul3A_580 = arith.muli %select_n3A_578, %mul3A_579 : i32
        %dma_start3A_581 = arith.constant 0 : i32
        %dma_start3A_582 = tpu.memref_slice %arg17[%dma_start3A_581, %select_n3A_562, %mul3A_580] : memref<12x8x128xi32, #tpu.memory_space<vmem>> -> memref<1x1x32xi32, #tpu.memory_space<vmem>>
        %dma_start3A_583 = tpu.memref_squeeze %dma_start3A_582 : memref<1x1x32xi32, #tpu.memory_space<vmem>> -> memref<32xi32, #tpu.memory_space<vmem>>
        %dma_start3A_584 = arith.constant 0 : i32
        %dma_start3A_585 = arith.constant 0 : i32
        %dma_start3A_586 = arith.constant 0 : i32
        %dma_start3A_587 = tpu.memref_slice %arg4[%dma_start3A_584, %dma_start3A_585, %dma_start3A_586] : memref<1001x4x128xbf16, #tpu.memory_space<hbm>> -> memref<1001x4x128xbf16, #tpu.memory_space<hbm>>
        tpu.enqueue_indirect_dma source(%dma_start3A_587 : memref<1001x4x128xbf16, #tpu.memory_space<hbm>>) target(%arg18 : memref<32x4x128xbf16, #tpu.memory_space<vmem>>) offsets(%dma_start3A_583 : memref<32xi32, #tpu.memory_space<vmem>>) semaphore(%arg31 : memref<!tpu.dma_semaphore, #tpu.memory_space<semaphore_mem>>)
        %add3A_588 = arith.constant 1 : i32
        %add3A_589 = arith.addi %mul3A_227, %add3A_588 : i32
        %jit3A_590 = arith.constant 4 : i32
        %div3A_591 = arith.divsi %add3A_589, %jit3A_590 : i32
        %sign3A_592 = arith.constant 0 : i32
        %sign3A_593 = arith.cmpi sgt, %add3A_589, %sign3A_592 : i32
        %sign3A_594 = arith.extui %sign3A_593 : i1 to i32
        %sign3A_595 = arith.constant 0 : i32
        %sign3A_596 = arith.cmpi slt, %add3A_589, %sign3A_595 : i32
        %sign3A_597 = arith.extui %sign3A_596 : i1 to i32
        %sign3A_598 = arith.subi %sign3A_594, %sign3A_597 : i32
        %sign3A_599 = arith.constant 0 : i32
        %sign3A_600 = arith.cmpi sgt, %jit3A_590, %sign3A_599 : i32
        %sign3A_601 = arith.extui %sign3A_600 : i1 to i32
        %sign3A_602 = arith.constant 0 : i32
        %sign3A_603 = arith.cmpi slt, %jit3A_590, %sign3A_602 : i32
        %sign3A_604 = arith.extui %sign3A_603 : i1 to i32
        %sign3A_605 = arith.subi %sign3A_601, %sign3A_604 : i32
        %ne3A_606 = arith.cmpi ne, %sign3A_598, %sign3A_605 : i32
        %rem3A_607 = arith.remsi %add3A_589, %jit3A_590 : i32
        %ne3A_608 = arith.constant 0 : i32
        %ne3A_609 = arith.cmpi ne, %rem3A_607, %ne3A_608 : i32
        %and3A_610 = arith.andi %ne3A_606, %ne3A_609 : i1
        %sub3A_611 = arith.constant 1 : i32
        %sub3A_612 = arith.subi %div3A_591, %sub3A_611 : i32
        %select_n3A_613 = arith.select %and3A_610, %sub3A_612, %div3A_591 : i32
        %jit3A_614 = arith.constant 4 : i32
        %eq3A_615 = arith.constant 0 : i32
        %eq3A_616 = arith.cmpi eq, %jit3A_614, %eq3A_615 : i32
        %jit3A_617 = arith.constant 1 : i32
        %select_n3A_618 = arith.select %eq3A_616, %jit3A_617, %jit3A_614 : i32
        %rem3A_619 = arith.remsi %add3A_589, %select_n3A_618 : i32
        %ne3A_620 = arith.constant 0 : i32
        %ne3A_621 = arith.cmpi ne, %rem3A_619, %ne3A_620 : i32
        %lt3A_622 = arith.constant 0 : i32
        %lt3A_623 = arith.cmpi slt, %rem3A_619, %lt3A_622 : i32
        %lt3A_624 = arith.constant 0 : i32
        %lt3A_625 = arith.cmpi slt, %select_n3A_618, %lt3A_624 : i32
        %ne3A_626 = arith.xori %lt3A_623, %lt3A_625 : i1
        %and3A_627 = arith.andi %ne3A_626, %ne3A_621 : i1
        %add3A_628 = arith.addi %rem3A_619, %select_n3A_618 : i32
        %select_n3A_629 = arith.select %and3A_627, %add3A_628, %rem3A_619 : i32
        %mul3A_630 = arith.constant 32 : i32
        %mul3A_631 = arith.muli %select_n3A_629, %mul3A_630 : i32
        %dma_start3A_632 = arith.constant 1 : i32
        %dma_start3A_633 = tpu.memref_slice %arg17[%dma_start3A_632, %select_n3A_613, %mul3A_631] : memref<12x8x128xi32, #tpu.memory_space<vmem>> -> memref<1x1x32xi32, #tpu.memory_space<vmem>>
        %dma_start3A_634 = tpu.memref_squeeze %dma_start3A_633 : memref<1x1x32xi32, #tpu.memory_space<vmem>> -> memref<32xi32, #tpu.memory_space<vmem>>
        %dma_start3A_635 = arith.constant 0 : i32
        %dma_start3A_636 = arith.constant 0 : i32
        %dma_start3A_637 = arith.constant 0 : i32
        %dma_start3A_638 = tpu.memref_slice %arg5[%dma_start3A_635, %dma_start3A_636, %dma_start3A_637] : memref<1001x4x128xbf16, #tpu.memory_space<hbm>> -> memref<1001x4x128xbf16, #tpu.memory_space<hbm>>
        tpu.enqueue_indirect_dma source(%dma_start3A_638 : memref<1001x4x128xbf16, #tpu.memory_space<hbm>>) target(%arg19 : memref<32x4x128xbf16, #tpu.memory_space<vmem>>) offsets(%dma_start3A_634 : memref<32xi32, #tpu.memory_space<vmem>>) semaphore(%arg32 : memref<!tpu.dma_semaphore, #tpu.memory_space<semaphore_mem>>)
      } else {
      }
      %add3A_367 = arith.constant 1 : i32
      %add3A_368 = arith.addi %add3A_367, %mul3A_72 : i32
      %mul3A_369 = arith.constant 32 : i32
      %mul3A_370 = arith.muli %mul3A_227, %mul3A_369 : i32
      %add3A_371 = arith.addi %add3A_368, %mul3A_370 : i32
      %dma_start3A_372 = arith.constant 0 : i32
      %dma_start3A_373 = arith.constant 0 : i32
      %dma_start3A_374 = tpu.memref_slice %arg16[%add3A_371, %select_n3A_40, %dma_start3A_372, %select_n3A_54, %dma_start3A_373] : memref<2049x2x8x8x128xf32, #tpu.memory_space<hbm>> -> memref<32x1x4x1x128xf32, #tpu.memory_space<hbm>>
      %dma_start3A_375 = tpu.memref_squeeze %dma_start3A_374 : memref<32x1x4x1x128xf32, #tpu.memory_space<hbm>> -> memref<32x4x128xf32, #tpu.memory_space<hbm>>
      %dma_start3A_376 = arith.constant 0 : i32
      %dma_start3A_377 = arith.constant 0 : i32
      %dma_start3A_378 = tpu.memref_slice %arg16[%add3A_371, %select_n3A_40, %dma_start3A_376, %select_n3A_54, %dma_start3A_377] : memref<2049x2x8x8x128xf32, #tpu.memory_space<hbm>> -> memref<32x1x4x1x128xf32, #tpu.memory_space<hbm>>
      %dma_start3A_379 = tpu.memref_squeeze %dma_start3A_378 : memref<32x1x4x1x128xf32, #tpu.memory_space<hbm>> -> memref<32x4x128xf32, #tpu.memory_space<hbm>>
      tpu.enqueue_dma source(%arg22 : memref<32x4x128xf32, #tpu.memory_space<vmem>>) target(%dma_start3A_379 : memref<32x4x128xf32, #tpu.memory_space<hbm>>) target_semaphore(%arg35 : memref<!tpu.dma_semaphore, #tpu.memory_space<semaphore_mem>>)
      %mul3A_380 = arith.constant 2 : i32
      %mul3A_381 = arith.muli %mul3A_380, %scan3A_225 : i32
      %add3A_382 = arith.constant 1 : i32
      %add3A_383 = arith.addi %mul3A_381, %add3A_382 : i32
      %dma_wait3A_384 = arith.constant 0 : i32
      %dma_wait3A_385 = arith.constant 0 : i32
      %dma_wait3A_386 = arith.constant 0 : i32
      %dma_wait3A_387 = tpu.memref_slice %arg4[%dma_wait3A_384, %dma_wait3A_385, %dma_wait3A_386] : memref<1001x4x128xbf16, #tpu.memory_space<hbm>> -> memref<32x4x128xbf16, #tpu.memory_space<hbm>>
      %dma_wait3A_388 = arith.constant 0 : i32
      %dma_wait3A_389 = arith.constant 0 : i32
      %dma_wait3A_390 = arith.constant 0 : i32
      %dma_wait3A_391 = tpu.memref_slice %arg4[%dma_wait3A_388, %dma_wait3A_389, %dma_wait3A_390] : memref<1001x4x128xbf16, #tpu.memory_space<hbm>> -> memref<32x4x128xbf16, #tpu.memory_space<hbm>>
      tpu.wait_dma2 semaphore(%arg31 : memref<!tpu.dma_semaphore, #tpu.memory_space<semaphore_mem>>) src(%dma_wait3A_391 : memref<32x4x128xbf16, #tpu.memory_space<hbm>>) dst(%arg18 : memref<32x4x128xbf16, #tpu.memory_space<vmem>>)
      %dma_wait3A_392 = arith.constant 0 : i32
      %dma_wait3A_393 = arith.constant 0 : i32
      %dma_wait3A_394 = arith.constant 0 : i32
      %dma_wait3A_395 = tpu.memref_slice %arg4[%dma_wait3A_392, %dma_wait3A_393, %dma_wait3A_394] : memref<1001x4x128xbf16, #tpu.memory_space<hbm>> -> memref<32x4x128xbf16, #tpu.memory_space<hbm>>
      %dma_wait3A_396 = arith.constant 0 : i32
      %dma_wait3A_397 = arith.constant 0 : i32
      %dma_wait3A_398 = arith.constant 0 : i32
      %dma_wait3A_399 = tpu.memref_slice %arg4[%dma_wait3A_396, %dma_wait3A_397, %dma_wait3A_398] : memref<1001x4x128xbf16, #tpu.memory_space<hbm>> -> memref<32x4x128xbf16, #tpu.memory_space<hbm>>
      tpu.wait_dma2 semaphore(%arg32 : memref<!tpu.dma_semaphore, #tpu.memory_space<semaphore_mem>>) src(%dma_wait3A_399 : memref<32x4x128xbf16, #tpu.memory_space<hbm>>) dst(%arg19 : memref<32x4x128xbf16, #tpu.memory_space<vmem>>)
      %jit3A_400 = arith.constant 4 : i32
      %div3A_401 = arith.divsi %add3A_383, %jit3A_400 : i32
      %sign3A_402 = arith.constant 0 : i32
      %sign3A_403 = arith.cmpi sgt, %add3A_383, %sign3A_402 : i32
      %sign3A_404 = arith.extui %sign3A_403 : i1 to i32
      %sign3A_405 = arith.constant 0 : i32
      %sign3A_406 = arith.cmpi slt, %add3A_383, %sign3A_405 : i32
      %sign3A_407 = arith.extui %sign3A_406 : i1 to i32
      %sign3A_408 = arith.subi %sign3A_404, %sign3A_407 : i32
      %sign3A_409 = arith.constant 0 : i32
      %sign3A_410 = arith.cmpi sgt, %jit3A_400, %sign3A_409 : i32
      %sign3A_411 = arith.extui %sign3A_410 : i1 to i32
      %sign3A_412 = arith.constant 0 : i32
      %sign3A_413 = arith.cmpi slt, %jit3A_400, %sign3A_412 : i32
      %sign3A_414 = arith.extui %sign3A_413 : i1 to i32
      %sign3A_415 = arith.subi %sign3A_411, %sign3A_414 : i32
      %ne3A_416 = arith.cmpi ne, %sign3A_408, %sign3A_415 : i32
      %rem3A_417 = arith.remsi %add3A_383, %jit3A_400 : i32
      %ne3A_418 = arith.constant 0 : i32
      %ne3A_419 = arith.cmpi ne, %rem3A_417, %ne3A_418 : i32
      %and3A_420 = arith.andi %ne3A_416, %ne3A_419 : i1
      %sub3A_421 = arith.constant 1 : i32
      %sub3A_422 = arith.subi %div3A_401, %sub3A_421 : i32
      %select_n3A_423 = arith.select %and3A_420, %sub3A_422, %div3A_401 : i32
      %jit3A_424 = arith.constant 4 : i32
      %eq3A_425 = arith.constant 0 : i32
      %eq3A_426 = arith.cmpi eq, %jit3A_424, %eq3A_425 : i32
      %jit3A_427 = arith.constant 1 : i32
      %select_n3A_428 = arith.select %eq3A_426, %jit3A_427, %jit3A_424 : i32
      %rem3A_429 = arith.remsi %add3A_383, %select_n3A_428 : i32
      %ne3A_430 = arith.constant 0 : i32
      %ne3A_431 = arith.cmpi ne, %rem3A_429, %ne3A_430 : i32
      %lt3A_432 = arith.constant 0 : i32
      %lt3A_433 = arith.cmpi slt, %rem3A_429, %lt3A_432 : i32
      %lt3A_434 = arith.constant 0 : i32
      %lt3A_435 = arith.cmpi slt, %select_n3A_428, %lt3A_434 : i32
      %ne3A_436 = arith.xori %lt3A_433, %lt3A_435 : i1
      %and3A_437 = arith.andi %ne3A_436, %ne3A_431 : i1
      %add3A_438 = arith.addi %rem3A_429, %select_n3A_428 : i32
      %select_n3A_439 = arith.select %and3A_437, %add3A_438, %rem3A_429 : i32
      %mul3A_440 = arith.constant 32 : i32
      %mul3A_441 = arith.muli %select_n3A_439, %mul3A_440 : i32
      %dma_start3A_442 = arith.constant 2 : i32
      %dma_start3A_443 = tpu.memref_slice %arg17[%dma_start3A_442, %select_n3A_423, %mul3A_441] : memref<12x8x128xi32, #tpu.memory_space<vmem>> -> memref<1x1x32xi32, #tpu.memory_space<vmem>>
      %dma_start3A_444 = tpu.memref_squeeze %dma_start3A_443 : memref<1x1x32xi32, #tpu.memory_space<vmem>> -> memref<32xi32, #tpu.memory_space<vmem>>
      %dma_start3A_445 = arith.constant 0 : i32
      %dma_start3A_446 = arith.constant 0 : i32
      %dma_start3A_447 = arith.constant 0 : i32
      %dma_start3A_448 = tpu.memref_slice %arg6[%dma_start3A_445, %dma_start3A_446, %dma_start3A_447] : memref<1001x4x128xbf16, #tpu.memory_space<hbm>> -> memref<1001x4x128xbf16, #tpu.memory_space<hbm>>
      tpu.enqueue_indirect_dma source(%dma_start3A_448 : memref<1001x4x128xbf16, #tpu.memory_space<hbm>>) target(%arg20 : memref<32x4x128xbf16, #tpu.memory_space<vmem>>) offsets(%dma_start3A_444 : memref<32xi32, #tpu.memory_space<vmem>>) semaphore(%arg33 : memref<!tpu.dma_semaphore, #tpu.memory_space<semaphore_mem>>)
      %jit3A_449 = arith.constant 4 : i32
      %div3A_450 = arith.divsi %add3A_383, %jit3A_449 : i32
      %sign3A_451 = arith.constant 0 : i32
      %sign3A_452 = arith.cmpi sgt, %add3A_383, %sign3A_451 : i32
      %sign3A_453 = arith.extui %sign3A_452 : i1 to i32
      %sign3A_454 = arith.constant 0 : i32
      %sign3A_455 = arith.cmpi slt, %add3A_383, %sign3A_454 : i32
      %sign3A_456 = arith.extui %sign3A_455 : i1 to i32
      %sign3A_457 = arith.subi %sign3A_453, %sign3A_456 : i32
      %sign3A_458 = arith.constant 0 : i32
      %sign3A_459 = arith.cmpi sgt, %jit3A_449, %sign3A_458 : i32
      %sign3A_460 = arith.extui %sign3A_459 : i1 to i32
      %sign3A_461 = arith.constant 0 : i32
      %sign3A_462 = arith.cmpi slt, %jit3A_449, %sign3A_461 : i32
      %sign3A_463 = arith.extui %sign3A_462 : i1 to i32
      %sign3A_464 = arith.subi %sign3A_460, %sign3A_463 : i32
      %ne3A_465 = arith.cmpi ne, %sign3A_457, %sign3A_464 : i32
      %rem3A_466 = arith.remsi %add3A_383, %jit3A_449 : i32
      %ne3A_467 = arith.constant 0 : i32
      %ne3A_468 = arith.cmpi ne, %rem3A_466, %ne3A_467 : i32
      %and3A_469 = arith.andi %ne3A_465, %ne3A_468 : i1
      %sub3A_470 = arith.constant 1 : i32
      %sub3A_471 = arith.subi %div3A_450, %sub3A_470 : i32
      %select_n3A_472 = arith.select %and3A_469, %sub3A_471, %div3A_450 : i32
      %jit3A_473 = arith.constant 4 : i32
      %eq3A_474 = arith.constant 0 : i32
      %eq3A_475 = arith.cmpi eq, %jit3A_473, %eq3A_474 : i32
      %jit3A_476 = arith.constant 1 : i32
      %select_n3A_477 = arith.select %eq3A_475, %jit3A_476, %jit3A_473 : i32
      %rem3A_478 = arith.remsi %add3A_383, %select_n3A_477 : i32
      %ne3A_479 = arith.constant 0 : i32
      %ne3A_480 = arith.cmpi ne, %rem3A_478, %ne3A_479 : i32
      %lt3A_481 = arith.constant 0 : i32
      %lt3A_482 = arith.cmpi slt, %rem3A_478, %lt3A_481 : i32
      %lt3A_483 = arith.constant 0 : i32
      %lt3A_484 = arith.cmpi slt, %select_n3A_477, %lt3A_483 : i32
      %ne3A_485 = arith.xori %lt3A_482, %lt3A_484 : i1
      %and3A_486 = arith.andi %ne3A_485, %ne3A_480 : i1
      %add3A_487 = arith.addi %rem3A_478, %select_n3A_477 : i32
      %select_n3A_488 = arith.select %and3A_486, %add3A_487, %rem3A_478 : i32
      %mul3A_489 = arith.constant 32 : i32
      %mul3A_490 = arith.muli %select_n3A_488, %mul3A_489 : i32
      %dma_start3A_491 = arith.constant 3 : i32
      %dma_start3A_492 = tpu.memref_slice %arg17[%dma_start3A_491, %select_n3A_472, %mul3A_490] : memref<12x8x128xi32, #tpu.memory_space<vmem>> -> memref<1x1x32xi32, #tpu.memory_space<vmem>>
      %dma_start3A_493 = tpu.memref_squeeze %dma_start3A_492 : memref<1x1x32xi32, #tpu.memory_space<vmem>> -> memref<32xi32, #tpu.memory_space<vmem>>
      %dma_start3A_494 = arith.constant 0 : i32
      %dma_start3A_495 = arith.constant 0 : i32
      %dma_start3A_496 = arith.constant 0 : i32
      %dma_start3A_497 = tpu.memref_slice %arg7[%dma_start3A_494, %dma_start3A_495, %dma_start3A_496] : memref<1001x4x128xbf16, #tpu.memory_space<hbm>> -> memref<1001x4x128xbf16, #tpu.memory_space<hbm>>
      tpu.enqueue_indirect_dma source(%dma_start3A_497 : memref<1001x4x128xbf16, #tpu.memory_space<hbm>>) target(%arg21 : memref<32x4x128xbf16, #tpu.memory_space<vmem>>) offsets(%dma_start3A_493 : memref<32xi32, #tpu.memory_space<vmem>>) semaphore(%arg34 : memref<!tpu.dma_semaphore, #tpu.memory_space<semaphore_mem>>)
      %ge3A_498 = arith.constant 2 : i32
      %ge3A_499 = arith.cmpi sge, %add3A_383, %ge3A_498 : i32
      %convert_element_type3A_500 = arith.extui %ge3A_499 : i1 to i32
      %cond3A_501 = arith.constant 0 : i32
      %cond3A_502 = arith.cmpi ne, %convert_element_type3A_500, %cond3A_501 : i32
      scf.if %cond3A_502 {
        %add3A_537 = arith.constant 1 : i32
        %add3A_538 = arith.addi %add3A_537, %mul3A_72 : i32
        %add3A_539 = arith.constant 0 : i32
        %add3A_540 = arith.addi %add3A_538, %add3A_539 : i32
        %dma_wait3A_541 = arith.constant 0 : i32
        %dma_wait3A_542 = arith.constant 0 : i32
        %dma_wait3A_543 = tpu.memref_slice %arg16[%add3A_540, %select_n3A_40, %dma_wait3A_541, %select_n3A_54, %dma_wait3A_542] : memref<2049x2x8x8x128xf32, #tpu.memory_space<hbm>> -> memref<32x1x4x1x128xf32, #tpu.memory_space<hbm>>
        %dma_wait3A_544 = tpu.memref_squeeze %dma_wait3A_543 : memref<32x1x4x1x128xf32, #tpu.memory_space<hbm>> -> memref<32x4x128xf32, #tpu.memory_space<hbm>>
        %dma_wait3A_545 = arith.constant 0 : i32
        %dma_wait3A_546 = arith.constant 0 : i32
        %dma_wait3A_547 = tpu.memref_slice %arg16[%add3A_540, %select_n3A_40, %dma_wait3A_545, %select_n3A_54, %dma_wait3A_546] : memref<2049x2x8x8x128xf32, #tpu.memory_space<hbm>> -> memref<32x1x4x1x128xf32, #tpu.memory_space<hbm>>
        %dma_wait3A_548 = tpu.memref_squeeze %dma_wait3A_547 : memref<32x1x4x1x128xf32, #tpu.memory_space<hbm>> -> memref<32x4x128xf32, #tpu.memory_space<hbm>>
        tpu.wait_dma2 semaphore(%arg36 : memref<!tpu.dma_semaphore, #tpu.memory_space<semaphore_mem>>) src(%arg23 : memref<32x4x128xf32, #tpu.memory_space<vmem>>) dst(%dma_wait3A_548 : memref<32x4x128xf32, #tpu.memory_space<hbm>>)
      } else {
      }
      %dma_wait3A_503 = arith.constant 0 : i32
      %dma_wait3A_504 = arith.constant 0 : i32
      %dma_wait3A_505 = arith.constant 0 : i32
      %dma_wait3A_506 = tpu.memref_slice %arg4[%dma_wait3A_503, %dma_wait3A_504, %dma_wait3A_505] : memref<1001x4x128xbf16, #tpu.memory_space<hbm>> -> memref<32x4x128xbf16, #tpu.memory_space<hbm>>
      %dma_wait3A_507 = arith.constant 0 : i32
      %dma_wait3A_508 = arith.constant 0 : i32
      %dma_wait3A_509 = arith.constant 0 : i32
      %dma_wait3A_510 = tpu.memref_slice %arg4[%dma_wait3A_507, %dma_wait3A_508, %dma_wait3A_509] : memref<1001x4x128xbf16, #tpu.memory_space<hbm>> -> memref<32x4x128xbf16, #tpu.memory_space<hbm>>
      tpu.wait_dma2 semaphore(%arg33 : memref<!tpu.dma_semaphore, #tpu.memory_space<semaphore_mem>>) src(%dma_wait3A_510 : memref<32x4x128xbf16, #tpu.memory_space<hbm>>) dst(%arg20 : memref<32x4x128xbf16, #tpu.memory_space<vmem>>)
      %dma_wait3A_511 = arith.constant 0 : i32
      %dma_wait3A_512 = arith.constant 0 : i32
      %dma_wait3A_513 = arith.constant 0 : i32
      %dma_wait3A_514 = tpu.memref_slice %arg4[%dma_wait3A_511, %dma_wait3A_512, %dma_wait3A_513] : memref<1001x4x128xbf16, #tpu.memory_space<hbm>> -> memref<32x4x128xbf16, #tpu.memory_space<hbm>>
      %dma_wait3A_515 = arith.constant 0 : i32
      %dma_wait3A_516 = arith.constant 0 : i32
      %dma_wait3A_517 = arith.constant 0 : i32
      %dma_wait3A_518 = tpu.memref_slice %arg4[%dma_wait3A_515, %dma_wait3A_516, %dma_wait3A_517] : memref<1001x4x128xbf16, #tpu.memory_space<hbm>> -> memref<32x4x128xbf16, #tpu.memory_space<hbm>>
      tpu.wait_dma2 semaphore(%arg34 : memref<!tpu.dma_semaphore, #tpu.memory_space<semaphore_mem>>) src(%dma_wait3A_518 : memref<32x4x128xbf16, #tpu.memory_space<hbm>>) dst(%arg21 : memref<32x4x128xbf16, #tpu.memory_space<vmem>>)
      %lt3A_519 = arith.constant 31 : i32
      %lt3A_520 = arith.cmpi slt, %add3A_383, %lt3A_519 : i32
      %convert_element_type3A_521 = arith.extui %lt3A_520 : i1 to i32
      %cond3A_522 = arith.constant 0 : i32
      %cond3A_523 = arith.cmpi ne, %convert_element_type3A_521, %cond3A_522 : i32
      scf.if %cond3A_523 {
        %add3A_537 = arith.constant 1 : i32
        %add3A_538 = arith.addi %add3A_383, %add3A_537 : i32
        %jit3A_539 = arith.constant 4 : i32
        %div3A_540 = arith.divsi %add3A_538, %jit3A_539 : i32
        %sign3A_541 = arith.constant 0 : i32
        %sign3A_542 = arith.cmpi sgt, %add3A_538, %sign3A_541 : i32
        %sign3A_543 = arith.extui %sign3A_542 : i1 to i32
        %sign3A_544 = arith.constant 0 : i32
        %sign3A_545 = arith.cmpi slt, %add3A_538, %sign3A_544 : i32
        %sign3A_546 = arith.extui %sign3A_545 : i1 to i32
        %sign3A_547 = arith.subi %sign3A_543, %sign3A_546 : i32
        %sign3A_548 = arith.constant 0 : i32
        %sign3A_549 = arith.cmpi sgt, %jit3A_539, %sign3A_548 : i32
        %sign3A_550 = arith.extui %sign3A_549 : i1 to i32
        %sign3A_551 = arith.constant 0 : i32
        %sign3A_552 = arith.cmpi slt, %jit3A_539, %sign3A_551 : i32
        %sign3A_553 = arith.extui %sign3A_552 : i1 to i32
        %sign3A_554 = arith.subi %sign3A_550, %sign3A_553 : i32
        %ne3A_555 = arith.cmpi ne, %sign3A_547, %sign3A_554 : i32
        %rem3A_556 = arith.remsi %add3A_538, %jit3A_539 : i32
        %ne3A_557 = arith.constant 0 : i32
        %ne3A_558 = arith.cmpi ne, %rem3A_556, %ne3A_557 : i32
        %and3A_559 = arith.andi %ne3A_555, %ne3A_558 : i1
        %sub3A_560 = arith.constant 1 : i32
        %sub3A_561 = arith.subi %div3A_540, %sub3A_560 : i32
        %select_n3A_562 = arith.select %and3A_559, %sub3A_561, %div3A_540 : i32
        %jit3A_563 = arith.constant 4 : i32
        %eq3A_564 = arith.constant 0 : i32
        %eq3A_565 = arith.cmpi eq, %jit3A_563, %eq3A_564 : i32
        %jit3A_566 = arith.constant 1 : i32
        %select_n3A_567 = arith.select %eq3A_565, %jit3A_566, %jit3A_563 : i32
        %rem3A_568 = arith.remsi %add3A_538, %select_n3A_567 : i32
        %ne3A_569 = arith.constant 0 : i32
        %ne3A_570 = arith.cmpi ne, %rem3A_568, %ne3A_569 : i32
        %lt3A_571 = arith.constant 0 : i32
        %lt3A_572 = arith.cmpi slt, %rem3A_568, %lt3A_571 : i32
        %lt3A_573 = arith.constant 0 : i32
        %lt3A_574 = arith.cmpi slt, %select_n3A_567, %lt3A_573 : i32
        %ne3A_575 = arith.xori %lt3A_572, %lt3A_574 : i1
        %and3A_576 = arith.andi %ne3A_575, %ne3A_570 : i1
        %add3A_577 = arith.addi %rem3A_568, %select_n3A_567 : i32
        %select_n3A_578 = arith.select %and3A_576, %add3A_577, %rem3A_568 : i32
        %mul3A_579 = arith.constant 32 : i32
        %mul3A_580 = arith.muli %select_n3A_578, %mul3A_579 : i32
        %dma_start3A_581 = arith.constant 0 : i32
        %dma_start3A_582 = tpu.memref_slice %arg17[%dma_start3A_581, %select_n3A_562, %mul3A_580] : memref<12x8x128xi32, #tpu.memory_space<vmem>> -> memref<1x1x32xi32, #tpu.memory_space<vmem>>
        %dma_start3A_583 = tpu.memref_squeeze %dma_start3A_582 : memref<1x1x32xi32, #tpu.memory_space<vmem>> -> memref<32xi32, #tpu.memory_space<vmem>>
        %dma_start3A_584 = arith.constant 0 : i32
        %dma_start3A_585 = arith.constant 0 : i32
        %dma_start3A_586 = arith.constant 0 : i32
        %dma_start3A_587 = tpu.memref_slice %arg4[%dma_start3A_584, %dma_start3A_585, %dma_start3A_586] : memref<1001x4x128xbf16, #tpu.memory_space<hbm>> -> memref<1001x4x128xbf16, #tpu.memory_space<hbm>>
        tpu.enqueue_indirect_dma source(%dma_start3A_587 : memref<1001x4x128xbf16, #tpu.memory_space<hbm>>) target(%arg18 : memref<32x4x128xbf16, #tpu.memory_space<vmem>>) offsets(%dma_start3A_583 : memref<32xi32, #tpu.memory_space<vmem>>) semaphore(%arg31 : memref<!tpu.dma_semaphore, #tpu.memory_space<semaphore_mem>>)
        %add3A_588 = arith.constant 1 : i32
        %add3A_589 = arith.addi %add3A_383, %add3A_588 : i32
        %jit3A_590 = arith.constant 4 : i32
        %div3A_591 = arith.divsi %add3A_589, %jit3A_590 : i32
        %sign3A_592 = arith.constant 0 : i32
        %sign3A_593 = arith.cmpi sgt, %add3A_589, %sign3A_592 : i32
        %sign3A_594 = arith.extui %sign3A_593 : i1 to i32
        %sign3A_595 = arith.constant 0 : i32
        %sign3A_596 = arith.cmpi slt, %add3A_589, %sign3A_595 : i32
        %sign3A_597 = arith.extui %sign3A_596 : i1 to i32
        %sign3A_598 = arith.subi %sign3A_594, %sign3A_597 : i32
        %sign3A_599 = arith.constant 0 : i32
        %sign3A_600 = arith.cmpi sgt, %jit3A_590, %sign3A_599 : i32
        %sign3A_601 = arith.extui %sign3A_600 : i1 to i32
        %sign3A_602 = arith.constant 0 : i32
        %sign3A_603 = arith.cmpi slt, %jit3A_590, %sign3A_602 : i32
        %sign3A_604 = arith.extui %sign3A_603 : i1 to i32
        %sign3A_605 = arith.subi %sign3A_601, %sign3A_604 : i32
        %ne3A_606 = arith.cmpi ne, %sign3A_598, %sign3A_605 : i32
        %rem3A_607 = arith.remsi %add3A_589, %jit3A_590 : i32
        %ne3A_608 = arith.constant 0 : i32
        %ne3A_609 = arith.cmpi ne, %rem3A_607, %ne3A_608 : i32
        %and3A_610 = arith.andi %ne3A_606, %ne3A_609 : i1
        %sub3A_611 = arith.constant 1 : i32
        %sub3A_612 = arith.subi %div3A_591, %sub3A_611 : i32
        %select_n3A_613 = arith.select %and3A_610, %sub3A_612, %div3A_591 : i32
        %jit3A_614 = arith.constant 4 : i32
        %eq3A_615 = arith.constant 0 : i32
        %eq3A_616 = arith.cmpi eq, %jit3A_614, %eq3A_615 : i32
        %jit3A_617 = arith.constant 1 : i32
        %select_n3A_618 = arith.select %eq3A_616, %jit3A_617, %jit3A_614 : i32
        %rem3A_619 = arith.remsi %add3A_589, %select_n3A_618 : i32
        %ne3A_620 = arith.constant 0 : i32
        %ne3A_621 = arith.cmpi ne, %rem3A_619, %ne3A_620 : i32
        %lt3A_622 = arith.constant 0 : i32
        %lt3A_623 = arith.cmpi slt, %rem3A_619, %lt3A_622 : i32
        %lt3A_624 = arith.constant 0 : i32
        %lt3A_625 = arith.cmpi slt, %select_n3A_618, %lt3A_624 : i32
        %ne3A_626 = arith.xori %lt3A_623, %lt3A_625 : i1
        %and3A_627 = arith.andi %ne3A_626, %ne3A_621 : i1
        %add3A_628 = arith.addi %rem3A_619, %select_n3A_618 : i32
        %select_n3A_629 = arith.select %and3A_627, %add3A_628, %rem3A_619 : i32
        %mul3A_630 = arith.constant 32 : i32
        %mul3A_631 = arith.muli %select_n3A_629, %mul3A_630 : i32
        %dma_start3A_632 = arith.constant 1 : i32
        %dma_start3A_633 = tpu.memref_slice %arg17[%dma_start3A_632, %select_n3A_613, %mul3A_631] : memref<12x8x128xi32, #tpu.memory_space<vmem>> -> memref<1x1x32xi32, #tpu.memory_space<vmem>>
        %dma_start3A_634 = tpu.memref_squeeze %dma_start3A_633 : memref<1x1x32xi32, #tpu.memory_space<vmem>> -> memref<32xi32, #tpu.memory_space<vmem>>
        %dma_start3A_635 = arith.constant 0 : i32
        %dma_start3A_636 = arith.constant 0 : i32
        %dma_start3A_637 = arith.constant 0 : i32
        %dma_start3A_638 = tpu.memref_slice %arg5[%dma_start3A_635, %dma_start3A_636, %dma_start3A_637] : memref<1001x4x128xbf16, #tpu.memory_space<hbm>> -> memref<1001x4x128xbf16, #tpu.memory_space<hbm>>
        tpu.enqueue_indirect_dma source(%dma_start3A_638 : memref<1001x4x128xbf16, #tpu.memory_space<hbm>>) target(%arg19 : memref<32x4x128xbf16, #tpu.memory_space<vmem>>) offsets(%dma_start3A_634 : memref<32xi32, #tpu.memory_space<vmem>>) semaphore(%arg32 : memref<!tpu.dma_semaphore, #tpu.memory_space<semaphore_mem>>)
      } else {
      }
      %add3A_524 = arith.constant 1 : i32
      %add3A_525 = arith.addi %add3A_524, %mul3A_72 : i32
      %mul3A_526 = arith.constant 32 : i32
      %mul3A_527 = arith.muli %add3A_383, %mul3A_526 : i32
      %add3A_528 = arith.addi %add3A_525, %mul3A_527 : i32
      %dma_start3A_529 = arith.constant 0 : i32
      %dma_start3A_530 = arith.constant 0 : i32
      %dma_start3A_531 = tpu.memref_slice %arg16[%add3A_528, %select_n3A_40, %dma_start3A_529, %select_n3A_54, %dma_start3A_530] : memref<2049x2x8x8x128xf32, #tpu.memory_space<hbm>> -> memref<32x1x4x1x128xf32, #tpu.memory_space<hbm>>
      %dma_start3A_532 = tpu.memref_squeeze %dma_start3A_531 : memref<32x1x4x1x128xf32, #tpu.memory_space<hbm>> -> memref<32x4x128xf32, #tpu.memory_space<hbm>>
      %dma_start3A_533 = arith.constant 0 : i32
      %dma_start3A_534 = arith.constant 0 : i32
      %dma_start3A_535 = tpu.memref_slice %arg16[%add3A_528, %select_n3A_40, %dma_start3A_533, %select_n3A_54, %dma_start3A_534] : memref<2049x2x8x8x128xf32, #tpu.memory_space<hbm>> -> memref<32x1x4x1x128xf32, #tpu.memory_space<hbm>>
      %dma_start3A_536 = tpu.memref_squeeze %dma_start3A_535 : memref<32x1x4x1x128xf32, #tpu.memory_space<hbm>> -> memref<32x4x128xf32, #tpu.memory_space<hbm>>
      tpu.enqueue_dma source(%arg23 : memref<32x4x128xf32, #tpu.memory_space<vmem>>) target(%dma_start3A_536 : memref<32x4x128xf32, #tpu.memory_space<hbm>>) target_semaphore(%arg36 : memref<!tpu.dma_semaphore, #tpu.memory_space<semaphore_mem>>)
    }
    %scan3A_105 = arith.constant 16 : i32
    %dma_start3A_106 = arith.constant 4 : i32
    %dma_start3A_107 = arith.constant 0 : i32
    %dma_start3A_108 = arith.constant 0 : i32
    %dma_start3A_109 = tpu.memref_slice %arg17[%dma_start3A_106, %dma_start3A_107, %dma_start3A_108] : memref<12x8x128xi32, #tpu.memory_space<vmem>> -> memref<1x1x32xi32, #tpu.memory_space<vmem>>
    %dma_start3A_110 = tpu.memref_squeeze %dma_start3A_109 : memref<1x1x32xi32, #tpu.memory_space<vmem>> -> memref<32xi32, #tpu.memory_space<vmem>>
    %dma_start3A_111 = arith.constant 0 : i32
    %dma_start3A_112 = arith.constant 0 : i32
    %dma_start3A_113 = arith.constant 0 : i32
    %dma_start3A_114 = tpu.memref_slice %arg8[%dma_start3A_111, %dma_start3A_112, %dma_start3A_113] : memref<1001x2x128xbf16, #tpu.memory_space<hbm>> -> memref<1001x2x128xbf16, #tpu.memory_space<hbm>>
    tpu.enqueue_indirect_dma source(%dma_start3A_114 : memref<1001x2x128xbf16, #tpu.memory_space<hbm>>) target(%arg24 : memref<32x2x128xbf16, #tpu.memory_space<vmem>>) offsets(%dma_start3A_110 : memref<32xi32, #tpu.memory_space<vmem>>) semaphore(%arg37 : memref<!tpu.dma_semaphore, #tpu.memory_space<semaphore_mem>>)
    %dma_start3A_115 = arith.constant 5 : i32
    %dma_start3A_116 = arith.constant 0 : i32
    %dma_start3A_117 = arith.constant 0 : i32
    %dma_start3A_118 = tpu.memref_slice %arg17[%dma_start3A_115, %dma_start3A_116, %dma_start3A_117] : memref<12x8x128xi32, #tpu.memory_space<vmem>> -> memref<1x1x32xi32, #tpu.memory_space<vmem>>
    %dma_start3A_119 = tpu.memref_squeeze %dma_start3A_118 : memref<1x1x32xi32, #tpu.memory_space<vmem>> -> memref<32xi32, #tpu.memory_space<vmem>>
    %dma_start3A_120 = arith.constant 0 : i32
    %dma_start3A_121 = arith.constant 0 : i32
    %dma_start3A_122 = arith.constant 0 : i32
    %dma_start3A_123 = tpu.memref_slice %arg9[%dma_start3A_120, %dma_start3A_121, %dma_start3A_122] : memref<1001x2x128xbf16, #tpu.memory_space<hbm>> -> memref<1001x2x128xbf16, #tpu.memory_space<hbm>>
    tpu.enqueue_indirect_dma source(%dma_start3A_123 : memref<1001x2x128xbf16, #tpu.memory_space<hbm>>) target(%arg25 : memref<32x2x128xbf16, #tpu.memory_space<vmem>>) offsets(%dma_start3A_119 : memref<32xi32, #tpu.memory_space<vmem>>) semaphore(%arg38 : memref<!tpu.dma_semaphore, #tpu.memory_space<semaphore_mem>>)
    %scan3A_124 = arith.constant 0 : i32
    %scan3A_125 = arith.constant 0 : i32
    %scan3A_126 = arith.constant 16 : i32
    %scan3A_127 = arith.addi %scan3A_125, %scan3A_126 : i32
    %scan3A_128 = arith.constant 1 : i32
    scf.for %scan3A_225 = %scan3A_125 to %scan3A_127 step %scan3A_128  : i32 {
      %mul3A_226 = arith.constant 2 : i32
      %mul3A_227 = arith.muli %mul3A_226, %scan3A_225 : i32
      %dma_wait3A_228 = arith.constant 0 : i32
      %dma_wait3A_229 = arith.constant 0 : i32
      %dma_wait3A_230 = arith.constant 0 : i32
      %dma_wait3A_231 = tpu.memref_slice %arg8[%dma_wait3A_228, %dma_wait3A_229, %dma_wait3A_230] : memref<1001x2x128xbf16, #tpu.memory_space<hbm>> -> memref<32x2x128xbf16, #tpu.memory_space<hbm>>
      %dma_wait3A_232 = arith.constant 0 : i32
      %dma_wait3A_233 = arith.constant 0 : i32
      %dma_wait3A_234 = arith.constant 0 : i32
      %dma_wait3A_235 = tpu.memref_slice %arg8[%dma_wait3A_232, %dma_wait3A_233, %dma_wait3A_234] : memref<1001x2x128xbf16, #tpu.memory_space<hbm>> -> memref<32x2x128xbf16, #tpu.memory_space<hbm>>
      tpu.wait_dma2 semaphore(%arg37 : memref<!tpu.dma_semaphore, #tpu.memory_space<semaphore_mem>>) src(%dma_wait3A_235 : memref<32x2x128xbf16, #tpu.memory_space<hbm>>) dst(%arg24 : memref<32x2x128xbf16, #tpu.memory_space<vmem>>)
      %dma_wait3A_236 = arith.constant 0 : i32
      %dma_wait3A_237 = arith.constant 0 : i32
      %dma_wait3A_238 = arith.constant 0 : i32
      %dma_wait3A_239 = tpu.memref_slice %arg8[%dma_wait3A_236, %dma_wait3A_237, %dma_wait3A_238] : memref<1001x2x128xbf16, #tpu.memory_space<hbm>> -> memref<32x2x128xbf16, #tpu.memory_space<hbm>>
      %dma_wait3A_240 = arith.constant 0 : i32
      %dma_wait3A_241 = arith.constant 0 : i32
      %dma_wait3A_242 = arith.constant 0 : i32
      %dma_wait3A_243 = tpu.memref_slice %arg8[%dma_wait3A_240, %dma_wait3A_241, %dma_wait3A_242] : memref<1001x2x128xbf16, #tpu.memory_space<hbm>> -> memref<32x2x128xbf16, #tpu.memory_space<hbm>>
      tpu.wait_dma2 semaphore(%arg38 : memref<!tpu.dma_semaphore, #tpu.memory_space<semaphore_mem>>) src(%dma_wait3A_243 : memref<32x2x128xbf16, #tpu.memory_space<hbm>>) dst(%arg25 : memref<32x2x128xbf16, #tpu.memory_space<vmem>>)
      %jit3A_244 = arith.constant 4 : i32
      %div3A_245 = arith.divsi %mul3A_227, %jit3A_244 : i32
      %sign3A_246 = arith.constant 0 : i32
      %sign3A_247 = arith.cmpi sgt, %mul3A_227, %sign3A_246 : i32
      %sign3A_248 = arith.extui %sign3A_247 : i1 to i32
      %sign3A_249 = arith.constant 0 : i32
      %sign3A_250 = arith.cmpi slt, %mul3A_227, %sign3A_249 : i32
      %sign3A_251 = arith.extui %sign3A_250 : i1 to i32
      %sign3A_252 = arith.subi %sign3A_248, %sign3A_251 : i32
      %sign3A_253 = arith.constant 0 : i32
      %sign3A_254 = arith.cmpi sgt, %jit3A_244, %sign3A_253 : i32
      %sign3A_255 = arith.extui %sign3A_254 : i1 to i32
      %sign3A_256 = arith.constant 0 : i32
      %sign3A_257 = arith.cmpi slt, %jit3A_244, %sign3A_256 : i32
      %sign3A_258 = arith.extui %sign3A_257 : i1 to i32
      %sign3A_259 = arith.subi %sign3A_255, %sign3A_258 : i32
      %ne3A_260 = arith.cmpi ne, %sign3A_252, %sign3A_259 : i32
      %rem3A_261 = arith.remsi %mul3A_227, %jit3A_244 : i32
      %ne3A_262 = arith.constant 0 : i32
      %ne3A_263 = arith.cmpi ne, %rem3A_261, %ne3A_262 : i32
      %and3A_264 = arith.andi %ne3A_260, %ne3A_263 : i1
      %sub3A_265 = arith.constant 1 : i32
      %sub3A_266 = arith.subi %div3A_245, %sub3A_265 : i32
      %select_n3A_267 = arith.select %and3A_264, %sub3A_266, %div3A_245 : i32
      %jit3A_268 = arith.constant 4 : i32
      %eq3A_269 = arith.constant 0 : i32
      %eq3A_270 = arith.cmpi eq, %jit3A_268, %eq3A_269 : i32
      %jit3A_271 = arith.constant 1 : i32
      %select_n3A_272 = arith.select %eq3A_270, %jit3A_271, %jit3A_268 : i32
      %rem3A_273 = arith.remsi %mul3A_227, %select_n3A_272 : i32
      %ne3A_274 = arith.constant 0 : i32
      %ne3A_275 = arith.cmpi ne, %rem3A_273, %ne3A_274 : i32
      %lt3A_276 = arith.constant 0 : i32
      %lt3A_277 = arith.cmpi slt, %rem3A_273, %lt3A_276 : i32
      %lt3A_278 = arith.constant 0 : i32
      %lt3A_279 = arith.cmpi slt, %select_n3A_272, %lt3A_278 : i32
      %ne3A_280 = arith.xori %lt3A_277, %lt3A_279 : i1
      %and3A_281 = arith.andi %ne3A_280, %ne3A_275 : i1
      %add3A_282 = arith.addi %rem3A_273, %select_n3A_272 : i32
      %select_n3A_283 = arith.select %and3A_281, %add3A_282, %rem3A_273 : i32
      %mul3A_284 = arith.constant 32 : i32
      %mul3A_285 = arith.muli %select_n3A_283, %mul3A_284 : i32
      %dma_start3A_286 = arith.constant 6 : i32
      %dma_start3A_287 = tpu.memref_slice %arg17[%dma_start3A_286, %select_n3A_267, %mul3A_285] : memref<12x8x128xi32, #tpu.memory_space<vmem>> -> memref<1x1x32xi32, #tpu.memory_space<vmem>>
      %dma_start3A_288 = tpu.memref_squeeze %dma_start3A_287 : memref<1x1x32xi32, #tpu.memory_space<vmem>> -> memref<32xi32, #tpu.memory_space<vmem>>
      %dma_start3A_289 = arith.constant 0 : i32
      %dma_start3A_290 = arith.constant 0 : i32
      %dma_start3A_291 = arith.constant 0 : i32
      %dma_start3A_292 = tpu.memref_slice %arg10[%dma_start3A_289, %dma_start3A_290, %dma_start3A_291] : memref<1001x2x128xbf16, #tpu.memory_space<hbm>> -> memref<1001x2x128xbf16, #tpu.memory_space<hbm>>
      tpu.enqueue_indirect_dma source(%dma_start3A_292 : memref<1001x2x128xbf16, #tpu.memory_space<hbm>>) target(%arg26 : memref<32x2x128xbf16, #tpu.memory_space<vmem>>) offsets(%dma_start3A_288 : memref<32xi32, #tpu.memory_space<vmem>>) semaphore(%arg39 : memref<!tpu.dma_semaphore, #tpu.memory_space<semaphore_mem>>)
      %jit3A_293 = arith.constant 4 : i32
      %div3A_294 = arith.divsi %mul3A_227, %jit3A_293 : i32
      %sign3A_295 = arith.constant 0 : i32
      %sign3A_296 = arith.cmpi sgt, %mul3A_227, %sign3A_295 : i32
      %sign3A_297 = arith.extui %sign3A_296 : i1 to i32
      %sign3A_298 = arith.constant 0 : i32
      %sign3A_299 = arith.cmpi slt, %mul3A_227, %sign3A_298 : i32
      %sign3A_300 = arith.extui %sign3A_299 : i1 to i32
      %sign3A_301 = arith.subi %sign3A_297, %sign3A_300 : i32
      %sign3A_302 = arith.constant 0 : i32
      %sign3A_303 = arith.cmpi sgt, %jit3A_293, %sign3A_302 : i32
      %sign3A_304 = arith.extui %sign3A_303 : i1 to i32
      %sign3A_305 = arith.constant 0 : i32
      %sign3A_306 = arith.cmpi slt, %jit3A_293, %sign3A_305 : i32
      %sign3A_307 = arith.extui %sign3A_306 : i1 to i32
      %sign3A_308 = arith.subi %sign3A_304, %sign3A_307 : i32
      %ne3A_309 = arith.cmpi ne, %sign3A_301, %sign3A_308 : i32
      %rem3A_310 = arith.remsi %mul3A_227, %jit3A_293 : i32
      %ne3A_311 = arith.constant 0 : i32
      %ne3A_312 = arith.cmpi ne, %rem3A_310, %ne3A_311 : i32
      %and3A_313 = arith.andi %ne3A_309, %ne3A_312 : i1
      %sub3A_314 = arith.constant 1 : i32
      %sub3A_315 = arith.subi %div3A_294, %sub3A_314 : i32
      %select_n3A_316 = arith.select %and3A_313, %sub3A_315, %div3A_294 : i32
      %jit3A_317 = arith.constant 4 : i32
      %eq3A_318 = arith.constant 0 : i32
      %eq3A_319 = arith.cmpi eq, %jit3A_317, %eq3A_318 : i32
      %jit3A_320 = arith.constant 1 : i32
      %select_n3A_321 = arith.select %eq3A_319, %jit3A_320, %jit3A_317 : i32
      %rem3A_322 = arith.remsi %mul3A_227, %select_n3A_321 : i32
      %ne3A_323 = arith.constant 0 : i32
      %ne3A_324 = arith.cmpi ne, %rem3A_322, %ne3A_323 : i32
      %lt3A_325 = arith.constant 0 : i32
      %lt3A_326 = arith.cmpi slt, %rem3A_322, %lt3A_325 : i32
      %lt3A_327 = arith.constant 0 : i32
      %lt3A_328 = arith.cmpi slt, %select_n3A_321, %lt3A_327 : i32
      %ne3A_329 = arith.xori %lt3A_326, %lt3A_328 : i1
      %and3A_330 = arith.andi %ne3A_329, %ne3A_324 : i1
      %add3A_331 = arith.addi %rem3A_322, %select_n3A_321 : i32
      %select_n3A_332 = arith.select %and3A_330, %add3A_331, %rem3A_322 : i32
      %mul3A_333 = arith.constant 32 : i32
      %mul3A_334 = arith.muli %select_n3A_332, %mul3A_333 : i32
      %dma_start3A_335 = arith.constant 7 : i32
      %dma_start3A_336 = tpu.memref_slice %arg17[%dma_start3A_335, %select_n3A_316, %mul3A_334] : memref<12x8x128xi32, #tpu.memory_space<vmem>> -> memref<1x1x32xi32, #tpu.memory_space<vmem>>
      %dma_start3A_337 = tpu.memref_squeeze %dma_start3A_336 : memref<1x1x32xi32, #tpu.memory_space<vmem>> -> memref<32xi32, #tpu.memory_space<vmem>>
      %dma_start3A_338 = arith.constant 0 : i32
      %dma_start3A_339 = arith.constant 0 : i32
      %dma_start3A_340 = arith.constant 0 : i32
      %dma_start3A_341 = tpu.memref_slice %arg11[%dma_start3A_338, %dma_start3A_339, %dma_start3A_340] : memref<1001x2x128xbf16, #tpu.memory_space<hbm>> -> memref<1001x2x128xbf16, #tpu.memory_space<hbm>>
      tpu.enqueue_indirect_dma source(%dma_start3A_341 : memref<1001x2x128xbf16, #tpu.memory_space<hbm>>) target(%arg27 : memref<32x2x128xbf16, #tpu.memory_space<vmem>>) offsets(%dma_start3A_337 : memref<32xi32, #tpu.memory_space<vmem>>) semaphore(%arg40 : memref<!tpu.dma_semaphore, #tpu.memory_space<semaphore_mem>>)
      %ge3A = arith.constant 2 : i32
      %ge3A_342 = arith.cmpi sge, %mul3A_227, %ge3A : i32
      %convert_element_type3A_343 = arith.extui %ge3A_342 : i1 to i32
      %cond3A_344 = arith.constant 0 : i32
      %cond3A_345 = arith.cmpi ne, %convert_element_type3A_343, %cond3A_344 : i32
      scf.if %cond3A_345 {
        %add3A_537 = arith.constant 1 : i32
        %add3A_538 = arith.addi %add3A_537, %mul3A_72 : i32
        %add3A_539 = arith.constant 0 : i32
        %add3A_540 = arith.addi %add3A_538, %add3A_539 : i32
        %dma_wait3A_541 = arith.constant 4 : i32
        %dma_wait3A_542 = arith.constant 0 : i32
        %dma_wait3A_543 = tpu.memref_slice %arg16[%add3A_540, %select_n3A_40, %dma_wait3A_541, %select_n3A_54, %dma_wait3A_542] : memref<2049x2x8x8x128xf32, #tpu.memory_space<hbm>> -> memref<32x1x2x1x128xf32, #tpu.memory_space<hbm>>
        %dma_wait3A_544 = tpu.memref_squeeze %dma_wait3A_543 : memref<32x1x2x1x128xf32, #tpu.memory_space<hbm>> -> memref<32x2x128xf32, #tpu.memory_space<hbm>>
        %dma_wait3A_545 = arith.constant 4 : i32
        %dma_wait3A_546 = arith.constant 0 : i32
        %dma_wait3A_547 = tpu.memref_slice %arg16[%add3A_540, %select_n3A_40, %dma_wait3A_545, %select_n3A_54, %dma_wait3A_546] : memref<2049x2x8x8x128xf32, #tpu.memory_space<hbm>> -> memref<32x1x2x1x128xf32, #tpu.memory_space<hbm>>
        %dma_wait3A_548 = tpu.memref_squeeze %dma_wait3A_547 : memref<32x1x2x1x128xf32, #tpu.memory_space<hbm>> -> memref<32x2x128xf32, #tpu.memory_space<hbm>>
        tpu.wait_dma2 semaphore(%arg41 : memref<!tpu.dma_semaphore, #tpu.memory_space<semaphore_mem>>) src(%arg28 : memref<32x2x128xf32, #tpu.memory_space<vmem>>) dst(%dma_wait3A_548 : memref<32x2x128xf32, #tpu.memory_space<hbm>>)
      } else {
      }
      %dma_wait3A_346 = arith.constant 0 : i32
      %dma_wait3A_347 = arith.constant 0 : i32
      %dma_wait3A_348 = arith.constant 0 : i32
      %dma_wait3A_349 = tpu.memref_slice %arg8[%dma_wait3A_346, %dma_wait3A_347, %dma_wait3A_348] : memref<1001x2x128xbf16, #tpu.memory_space<hbm>> -> memref<32x2x128xbf16, #tpu.memory_space<hbm>>
      %dma_wait3A_350 = arith.constant 0 : i32
      %dma_wait3A_351 = arith.constant 0 : i32
      %dma_wait3A_352 = arith.constant 0 : i32
      %dma_wait3A_353 = tpu.memref_slice %arg8[%dma_wait3A_350, %dma_wait3A_351, %dma_wait3A_352] : memref<1001x2x128xbf16, #tpu.memory_space<hbm>> -> memref<32x2x128xbf16, #tpu.memory_space<hbm>>
      tpu.wait_dma2 semaphore(%arg39 : memref<!tpu.dma_semaphore, #tpu.memory_space<semaphore_mem>>) src(%dma_wait3A_353 : memref<32x2x128xbf16, #tpu.memory_space<hbm>>) dst(%arg26 : memref<32x2x128xbf16, #tpu.memory_space<vmem>>)
      %dma_wait3A_354 = arith.constant 0 : i32
      %dma_wait3A_355 = arith.constant 0 : i32
      %dma_wait3A_356 = arith.constant 0 : i32
      %dma_wait3A_357 = tpu.memref_slice %arg8[%dma_wait3A_354, %dma_wait3A_355, %dma_wait3A_356] : memref<1001x2x128xbf16, #tpu.memory_space<hbm>> -> memref<32x2x128xbf16, #tpu.memory_space<hbm>>
      %dma_wait3A_358 = arith.constant 0 : i32
      %dma_wait3A_359 = arith.constant 0 : i32
      %dma_wait3A_360 = arith.constant 0 : i32
      %dma_wait3A_361 = tpu.memref_slice %arg8[%dma_wait3A_358, %dma_wait3A_359, %dma_wait3A_360] : memref<1001x2x128xbf16, #tpu.memory_space<hbm>> -> memref<32x2x128xbf16, #tpu.memory_space<hbm>>
      tpu.wait_dma2 semaphore(%arg40 : memref<!tpu.dma_semaphore, #tpu.memory_space<semaphore_mem>>) src(%dma_wait3A_361 : memref<32x2x128xbf16, #tpu.memory_space<hbm>>) dst(%arg27 : memref<32x2x128xbf16, #tpu.memory_space<vmem>>)
      %lt3A_362 = arith.constant 31 : i32
      %lt3A_363 = arith.cmpi slt, %mul3A_227, %lt3A_362 : i32
      %convert_element_type3A_364 = arith.extui %lt3A_363 : i1 to i32
      %cond3A_365 = arith.constant 0 : i32
      %cond3A_366 = arith.cmpi ne, %convert_element_type3A_364, %cond3A_365 : i32
      scf.if %cond3A_366 {
        %add3A_537 = arith.constant 1 : i32
        %add3A_538 = arith.addi %mul3A_227, %add3A_537 : i32
        %jit3A_539 = arith.constant 4 : i32
        %div3A_540 = arith.divsi %add3A_538, %jit3A_539 : i32
        %sign3A_541 = arith.constant 0 : i32
        %sign3A_542 = arith.cmpi sgt, %add3A_538, %sign3A_541 : i32
        %sign3A_543 = arith.extui %sign3A_542 : i1 to i32
        %sign3A_544 = arith.constant 0 : i32
        %sign3A_545 = arith.cmpi slt, %add3A_538, %sign3A_544 : i32
        %sign3A_546 = arith.extui %sign3A_545 : i1 to i32
        %sign3A_547 = arith.subi %sign3A_543, %sign3A_546 : i32
        %sign3A_548 = arith.constant 0 : i32
        %sign3A_549 = arith.cmpi sgt, %jit3A_539, %sign3A_548 : i32
        %sign3A_550 = arith.extui %sign3A_549 : i1 to i32
        %sign3A_551 = arith.constant 0 : i32
        %sign3A_552 = arith.cmpi slt, %jit3A_539, %sign3A_551 : i32
        %sign3A_553 = arith.extui %sign3A_552 : i1 to i32
        %sign3A_554 = arith.subi %sign3A_550, %sign3A_553 : i32
        %ne3A_555 = arith.cmpi ne, %sign3A_547, %sign3A_554 : i32
        %rem3A_556 = arith.remsi %add3A_538, %jit3A_539 : i32
        %ne3A_557 = arith.constant 0 : i32
        %ne3A_558 = arith.cmpi ne, %rem3A_556, %ne3A_557 : i32
        %and3A_559 = arith.andi %ne3A_555, %ne3A_558 : i1
        %sub3A_560 = arith.constant 1 : i32
        %sub3A_561 = arith.subi %div3A_540, %sub3A_560 : i32
        %select_n3A_562 = arith.select %and3A_559, %sub3A_561, %div3A_540 : i32
        %jit3A_563 = arith.constant 4 : i32
        %eq3A_564 = arith.constant 0 : i32
        %eq3A_565 = arith.cmpi eq, %jit3A_563, %eq3A_564 : i32
        %jit3A_566 = arith.constant 1 : i32
        %select_n3A_567 = arith.select %eq3A_565, %jit3A_566, %jit3A_563 : i32
        %rem3A_568 = arith.remsi %add3A_538, %select_n3A_567 : i32
        %ne3A_569 = arith.constant 0 : i32
        %ne3A_570 = arith.cmpi ne, %rem3A_568, %ne3A_569 : i32
        %lt3A_571 = arith.constant 0 : i32
        %lt3A_572 = arith.cmpi slt, %rem3A_568, %lt3A_571 : i32
        %lt3A_573 = arith.constant 0 : i32
        %lt3A_574 = arith.cmpi slt, %select_n3A_567, %lt3A_573 : i32
        %ne3A_575 = arith.xori %lt3A_572, %lt3A_574 : i1
        %and3A_576 = arith.andi %ne3A_575, %ne3A_570 : i1
        %add3A_577 = arith.addi %rem3A_568, %select_n3A_567 : i32
        %select_n3A_578 = arith.select %and3A_576, %add3A_577, %rem3A_568 : i32
        %mul3A_579 = arith.constant 32 : i32
        %mul3A_580 = arith.muli %select_n3A_578, %mul3A_579 : i32
        %dma_start3A_581 = arith.constant 4 : i32
        %dma_start3A_582 = tpu.memref_slice %arg17[%dma_start3A_581, %select_n3A_562, %mul3A_580] : memref<12x8x128xi32, #tpu.memory_space<vmem>> -> memref<1x1x32xi32, #tpu.memory_space<vmem>>
        %dma_start3A_583 = tpu.memref_squeeze %dma_start3A_582 : memref<1x1x32xi32, #tpu.memory_space<vmem>> -> memref<32xi32, #tpu.memory_space<vmem>>
        %dma_start3A_584 = arith.constant 0 : i32
        %dma_start3A_585 = arith.constant 0 : i32
        %dma_start3A_586 = arith.constant 0 : i32
        %dma_start3A_587 = tpu.memref_slice %arg8[%dma_start3A_584, %dma_start3A_585, %dma_start3A_586] : memref<1001x2x128xbf16, #tpu.memory_space<hbm>> -> memref<1001x2x128xbf16, #tpu.memory_space<hbm>>
        tpu.enqueue_indirect_dma source(%dma_start3A_587 : memref<1001x2x128xbf16, #tpu.memory_space<hbm>>) target(%arg24 : memref<32x2x128xbf16, #tpu.memory_space<vmem>>) offsets(%dma_start3A_583 : memref<32xi32, #tpu.memory_space<vmem>>) semaphore(%arg37 : memref<!tpu.dma_semaphore, #tpu.memory_space<semaphore_mem>>)
        %add3A_588 = arith.constant 1 : i32
        %add3A_589 = arith.addi %mul3A_227, %add3A_588 : i32
        %jit3A_590 = arith.constant 4 : i32
        %div3A_591 = arith.divsi %add3A_589, %jit3A_590 : i32
        %sign3A_592 = arith.constant 0 : i32
        %sign3A_593 = arith.cmpi sgt, %add3A_589, %sign3A_592 : i32
        %sign3A_594 = arith.extui %sign3A_593 : i1 to i32
        %sign3A_595 = arith.constant 0 : i32
        %sign3A_596 = arith.cmpi slt, %add3A_589, %sign3A_595 : i32
        %sign3A_597 = arith.extui %sign3A_596 : i1 to i32
        %sign3A_598 = arith.subi %sign3A_594, %sign3A_597 : i32
        %sign3A_599 = arith.constant 0 : i32
        %sign3A_600 = arith.cmpi sgt, %jit3A_590, %sign3A_599 : i32
        %sign3A_601 = arith.extui %sign3A_600 : i1 to i32
        %sign3A_602 = arith.constant 0 : i32
        %sign3A_603 = arith.cmpi slt, %jit3A_590, %sign3A_602 : i32
        %sign3A_604 = arith.extui %sign3A_603 : i1 to i32
        %sign3A_605 = arith.subi %sign3A_601, %sign3A_604 : i32
        %ne3A_606 = arith.cmpi ne, %sign3A_598, %sign3A_605 : i32
        %rem3A_607 = arith.remsi %add3A_589, %jit3A_590 : i32
        %ne3A_608 = arith.constant 0 : i32
        %ne3A_609 = arith.cmpi ne, %rem3A_607, %ne3A_608 : i32
        %and3A_610 = arith.andi %ne3A_606, %ne3A_609 : i1
        %sub3A_611 = arith.constant 1 : i32
        %sub3A_612 = arith.subi %div3A_591, %sub3A_611 : i32
        %select_n3A_613 = arith.select %and3A_610, %sub3A_612, %div3A_591 : i32
        %jit3A_614 = arith.constant 4 : i32
        %eq3A_615 = arith.constant 0 : i32
        %eq3A_616 = arith.cmpi eq, %jit3A_614, %eq3A_615 : i32
        %jit3A_617 = arith.constant 1 : i32
        %select_n3A_618 = arith.select %eq3A_616, %jit3A_617, %jit3A_614 : i32
        %rem3A_619 = arith.remsi %add3A_589, %select_n3A_618 : i32
        %ne3A_620 = arith.constant 0 : i32
        %ne3A_621 = arith.cmpi ne, %rem3A_619, %ne3A_620 : i32
        %lt3A_622 = arith.constant 0 : i32
        %lt3A_623 = arith.cmpi slt, %rem3A_619, %lt3A_622 : i32
        %lt3A_624 = arith.constant 0 : i32
        %lt3A_625 = arith.cmpi slt, %select_n3A_618, %lt3A_624 : i32
        %ne3A_626 = arith.xori %lt3A_623, %lt3A_625 : i1
        %and3A_627 = arith.andi %ne3A_626, %ne3A_621 : i1
        %add3A_628 = arith.addi %rem3A_619, %select_n3A_618 : i32
        %select_n3A_629 = arith.select %and3A_627, %add3A_628, %rem3A_619 : i32
        %mul3A_630 = arith.constant 32 : i32
        %mul3A_631 = arith.muli %select_n3A_629, %mul3A_630 : i32
        %dma_start3A_632 = arith.constant 5 : i32
        %dma_start3A_633 = tpu.memref_slice %arg17[%dma_start3A_632, %select_n3A_613, %mul3A_631] : memref<12x8x128xi32, #tpu.memory_space<vmem>> -> memref<1x1x32xi32, #tpu.memory_space<vmem>>
        %dma_start3A_634 = tpu.memref_squeeze %dma_start3A_633 : memref<1x1x32xi32, #tpu.memory_space<vmem>> -> memref<32xi32, #tpu.memory_space<vmem>>
        %dma_start3A_635 = arith.constant 0 : i32
        %dma_start3A_636 = arith.constant 0 : i32
        %dma_start3A_637 = arith.constant 0 : i32
        %dma_start3A_638 = tpu.memref_slice %arg9[%dma_start3A_635, %dma_start3A_636, %dma_start3A_637] : memref<1001x2x128xbf16, #tpu.memory_space<hbm>> -> memref<1001x2x128xbf16, #tpu.memory_space<hbm>>
        tpu.enqueue_indirect_dma source(%dma_start3A_638 : memref<1001x2x128xbf16, #tpu.memory_space<hbm>>) target(%arg25 : memref<32x2x128xbf16, #tpu.memory_space<vmem>>) offsets(%dma_start3A_634 : memref<32xi32, #tpu.memory_space<vmem>>) semaphore(%arg38 : memref<!tpu.dma_semaphore, #tpu.memory_space<semaphore_mem>>)
      } else {
      }
      %add3A_367 = arith.constant 1 : i32
      %add3A_368 = arith.addi %add3A_367, %mul3A_72 : i32
      %mul3A_369 = arith.constant 32 : i32
      %mul3A_370 = arith.muli %mul3A_227, %mul3A_369 : i32
      %add3A_371 = arith.addi %add3A_368, %mul3A_370 : i32
      %dma_start3A_372 = arith.constant 4 : i32
      %dma_start3A_373 = arith.constant 0 : i32
      %dma_start3A_374 = tpu.memref_slice %arg16[%add3A_371, %select_n3A_40, %dma_start3A_372, %select_n3A_54, %dma_start3A_373] : memref<2049x2x8x8x128xf32, #tpu.memory_space<hbm>> -> memref<32x1x2x1x128xf32, #tpu.memory_space<hbm>>
      %dma_start3A_375 = tpu.memref_squeeze %dma_start3A_374 : memref<32x1x2x1x128xf32, #tpu.memory_space<hbm>> -> memref<32x2x128xf32, #tpu.memory_space<hbm>>
      %dma_start3A_376 = arith.constant 4 : i32
      %dma_start3A_377 = arith.constant 0 : i32
      %dma_start3A_378 = tpu.memref_slice %arg16[%add3A_371, %select_n3A_40, %dma_start3A_376, %select_n3A_54, %dma_start3A_377] : memref<2049x2x8x8x128xf32, #tpu.memory_space<hbm>> -> memref<32x1x2x1x128xf32, #tpu.memory_space<hbm>>
      %dma_start3A_379 = tpu.memref_squeeze %dma_start3A_378 : memref<32x1x2x1x128xf32, #tpu.memory_space<hbm>> -> memref<32x2x128xf32, #tpu.memory_space<hbm>>
      tpu.enqueue_dma source(%arg28 : memref<32x2x128xf32, #tpu.memory_space<vmem>>) target(%dma_start3A_379 : memref<32x2x128xf32, #tpu.memory_space<hbm>>) target_semaphore(%arg41 : memref<!tpu.dma_semaphore, #tpu.memory_space<semaphore_mem>>)
      %mul3A_380 = arith.constant 2 : i32
      %mul3A_381 = arith.muli %mul3A_380, %scan3A_225 : i32
      %add3A_382 = arith.constant 1 : i32
      %add3A_383 = arith.addi %mul3A_381, %add3A_382 : i32
      %dma_wait3A_384 = arith.constant 0 : i32
      %dma_wait3A_385 = arith.constant 0 : i32
      %dma_wait3A_386 = arith.constant 0 : i32
      %dma_wait3A_387 = tpu.memref_slice %arg8[%dma_wait3A_384, %dma_wait3A_385, %dma_wait3A_386] : memref<1001x2x128xbf16, #tpu.memory_space<hbm>> -> memref<32x2x128xbf16, #tpu.memory_space<hbm>>
      %dma_wait3A_388 = arith.constant 0 : i32
      %dma_wait3A_389 = arith.constant 0 : i32
      %dma_wait3A_390 = arith.constant 0 : i32
      %dma_wait3A_391 = tpu.memref_slice %arg8[%dma_wait3A_388, %dma_wait3A_389, %dma_wait3A_390] : memref<1001x2x128xbf16, #tpu.memory_space<hbm>> -> memref<32x2x128xbf16, #tpu.memory_space<hbm>>
      tpu.wait_dma2 semaphore(%arg37 : memref<!tpu.dma_semaphore, #tpu.memory_space<semaphore_mem>>) src(%dma_wait3A_391 : memref<32x2x128xbf16, #tpu.memory_space<hbm>>) dst(%arg24 : memref<32x2x128xbf16, #tpu.memory_space<vmem>>)
      %dma_wait3A_392 = arith.constant 0 : i32
      %dma_wait3A_393 = arith.constant 0 : i32
      %dma_wait3A_394 = arith.constant 0 : i32
      %dma_wait3A_395 = tpu.memref_slice %arg8[%dma_wait3A_392, %dma_wait3A_393, %dma_wait3A_394] : memref<1001x2x128xbf16, #tpu.memory_space<hbm>> -> memref<32x2x128xbf16, #tpu.memory_space<hbm>>
      %dma_wait3A_396 = arith.constant 0 : i32
      %dma_wait3A_397 = arith.constant 0 : i32
      %dma_wait3A_398 = arith.constant 0 : i32
      %dma_wait3A_399 = tpu.memref_slice %arg8[%dma_wait3A_396, %dma_wait3A_397, %dma_wait3A_398] : memref<1001x2x128xbf16, #tpu.memory_space<hbm>> -> memref<32x2x128xbf16, #tpu.memory_space<hbm>>
      tpu.wait_dma2 semaphore(%arg38 : memref<!tpu.dma_semaphore, #tpu.memory_space<semaphore_mem>>) src(%dma_wait3A_399 : memref<32x2x128xbf16, #tpu.memory_space<hbm>>) dst(%arg25 : memref<32x2x128xbf16, #tpu.memory_space<vmem>>)
      %jit3A_400 = arith.constant 4 : i32
      %div3A_401 = arith.divsi %add3A_383, %jit3A_400 : i32
      %sign3A_402 = arith.constant 0 : i32
      %sign3A_403 = arith.cmpi sgt, %add3A_383, %sign3A_402 : i32
      %sign3A_404 = arith.extui %sign3A_403 : i1 to i32
      %sign3A_405 = arith.constant 0 : i32
      %sign3A_406 = arith.cmpi slt, %add3A_383, %sign3A_405 : i32
      %sign3A_407 = arith.extui %sign3A_406 : i1 to i32
      %sign3A_408 = arith.subi %sign3A_404, %sign3A_407 : i32
      %sign3A_409 = arith.constant 0 : i32
      %sign3A_410 = arith.cmpi sgt, %jit3A_400, %sign3A_409 : i32
      %sign3A_411 = arith.extui %sign3A_410 : i1 to i32
      %sign3A_412 = arith.constant 0 : i32
      %sign3A_413 = arith.cmpi slt, %jit3A_400, %sign3A_412 : i32
      %sign3A_414 = arith.extui %sign3A_413 : i1 to i32
      %sign3A_415 = arith.subi %sign3A_411, %sign3A_414 : i32
      %ne3A_416 = arith.cmpi ne, %sign3A_408, %sign3A_415 : i32
      %rem3A_417 = arith.remsi %add3A_383, %jit3A_400 : i32
      %ne3A_418 = arith.constant 0 : i32
      %ne3A_419 = arith.cmpi ne, %rem3A_417, %ne3A_418 : i32
      %and3A_420 = arith.andi %ne3A_416, %ne3A_419 : i1
      %sub3A_421 = arith.constant 1 : i32
      %sub3A_422 = arith.subi %div3A_401, %sub3A_421 : i32
      %select_n3A_423 = arith.select %and3A_420, %sub3A_422, %div3A_401 : i32
      %jit3A_424 = arith.constant 4 : i32
      %eq3A_425 = arith.constant 0 : i32
      %eq3A_426 = arith.cmpi eq, %jit3A_424, %eq3A_425 : i32
      %jit3A_427 = arith.constant 1 : i32
      %select_n3A_428 = arith.select %eq3A_426, %jit3A_427, %jit3A_424 : i32
      %rem3A_429 = arith.remsi %add3A_383, %select_n3A_428 : i32
      %ne3A_430 = arith.constant 0 : i32
      %ne3A_431 = arith.cmpi ne, %rem3A_429, %ne3A_430 : i32
      %lt3A_432 = arith.constant 0 : i32
      %lt3A_433 = arith.cmpi slt, %rem3A_429, %lt3A_432 : i32
      %lt3A_434 = arith.constant 0 : i32
      %lt3A_435 = arith.cmpi slt, %select_n3A_428, %lt3A_434 : i32
      %ne3A_436 = arith.xori %lt3A_433, %lt3A_435 : i1
      %and3A_437 = arith.andi %ne3A_436, %ne3A_431 : i1
      %add3A_438 = arith.addi %rem3A_429, %select_n3A_428 : i32
      %select_n3A_439 = arith.select %and3A_437, %add3A_438, %rem3A_429 : i32
      %mul3A_440 = arith.constant 32 : i32
      %mul3A_441 = arith.muli %select_n3A_439, %mul3A_440 : i32
      %dma_start3A_442 = arith.constant 6 : i32
      %dma_start3A_443 = tpu.memref_slice %arg17[%dma_start3A_442, %select_n3A_423, %mul3A_441] : memref<12x8x128xi32, #tpu.memory_space<vmem>> -> memref<1x1x32xi32, #tpu.memory_space<vmem>>
      %dma_start3A_444 = tpu.memref_squeeze %dma_start3A_443 : memref<1x1x32xi32, #tpu.memory_space<vmem>> -> memref<32xi32, #tpu.memory_space<vmem>>
      %dma_start3A_445 = arith.constant 0 : i32
      %dma_start3A_446 = arith.constant 0 : i32
      %dma_start3A_447 = arith.constant 0 : i32
      %dma_start3A_448 = tpu.memref_slice %arg10[%dma_start3A_445, %dma_start3A_446, %dma_start3A_447] : memref<1001x2x128xbf16, #tpu.memory_space<hbm>> -> memref<1001x2x128xbf16, #tpu.memory_space<hbm>>
      tpu.enqueue_indirect_dma source(%dma_start3A_448 : memref<1001x2x128xbf16, #tpu.memory_space<hbm>>) target(%arg26 : memref<32x2x128xbf16, #tpu.memory_space<vmem>>) offsets(%dma_start3A_444 : memref<32xi32, #tpu.memory_space<vmem>>) semaphore(%arg39 : memref<!tpu.dma_semaphore, #tpu.memory_space<semaphore_mem>>)
      %jit3A_449 = arith.constant 4 : i32
      %div3A_450 = arith.divsi %add3A_383, %jit3A_449 : i32
      %sign3A_451 = arith.constant 0 : i32
      %sign3A_452 = arith.cmpi sgt, %add3A_383, %sign3A_451 : i32
      %sign3A_453 = arith.extui %sign3A_452 : i1 to i32
      %sign3A_454 = arith.constant 0 : i32
      %sign3A_455 = arith.cmpi slt, %add3A_383, %sign3A_454 : i32
      %sign3A_456 = arith.extui %sign3A_455 : i1 to i32
      %sign3A_457 = arith.subi %sign3A_453, %sign3A_456 : i32
      %sign3A_458 = arith.constant 0 : i32
      %sign3A_459 = arith.cmpi sgt, %jit3A_449, %sign3A_458 : i32
      %sign3A_460 = arith.extui %sign3A_459 : i1 to i32
      %sign3A_461 = arith.constant 0 : i32
      %sign3A_462 = arith.cmpi slt, %jit3A_449, %sign3A_461 : i32
      %sign3A_463 = arith.extui %sign3A_462 : i1 to i32
      %sign3A_464 = arith.subi %sign3A_460, %sign3A_463 : i32
      %ne3A_465 = arith.cmpi ne, %sign3A_457, %sign3A_464 : i32
      %rem3A_466 = arith.remsi %add3A_383, %jit3A_449 : i32
      %ne3A_467 = arith.constant 0 : i32
      %ne3A_468 = arith.cmpi ne, %rem3A_466, %ne3A_467 : i32
      %and3A_469 = arith.andi %ne3A_465, %ne3A_468 : i1
      %sub3A_470 = arith.constant 1 : i32
      %sub3A_471 = arith.subi %div3A_450, %sub3A_470 : i32
      %select_n3A_472 = arith.select %and3A_469, %sub3A_471, %div3A_450 : i32
      %jit3A_473 = arith.constant 4 : i32
      %eq3A_474 = arith.constant 0 : i32
      %eq3A_475 = arith.cmpi eq, %jit3A_473, %eq3A_474 : i32
      %jit3A_476 = arith.constant 1 : i32
      %select_n3A_477 = arith.select %eq3A_475, %jit3A_476, %jit3A_473 : i32
      %rem3A_478 = arith.remsi %add3A_383, %select_n3A_477 : i32
      %ne3A_479 = arith.constant 0 : i32
      %ne3A_480 = arith.cmpi ne, %rem3A_478, %ne3A_479 : i32
      %lt3A_481 = arith.constant 0 : i32
      %lt3A_482 = arith.cmpi slt, %rem3A_478, %lt3A_481 : i32
      %lt3A_483 = arith.constant 0 : i32
      %lt3A_484 = arith.cmpi slt, %select_n3A_477, %lt3A_483 : i32
      %ne3A_485 = arith.xori %lt3A_482, %lt3A_484 : i1
      %and3A_486 = arith.andi %ne3A_485, %ne3A_480 : i1
      %add3A_487 = arith.addi %rem3A_478, %select_n3A_477 : i32
      %select_n3A_488 = arith.select %and3A_486, %add3A_487, %rem3A_478 : i32
      %mul3A_489 = arith.constant 32 : i32
      %mul3A_490 = arith.muli %select_n3A_488, %mul3A_489 : i32
      %dma_start3A_491 = arith.constant 7 : i32
      %dma_start3A_492 = tpu.memref_slice %arg17[%dma_start3A_491, %select_n3A_472, %mul3A_490] : memref<12x8x128xi32, #tpu.memory_space<vmem>> -> memref<1x1x32xi32, #tpu.memory_space<vmem>>
      %dma_start3A_493 = tpu.memref_squeeze %dma_start3A_492 : memref<1x1x32xi32, #tpu.memory_space<vmem>> -> memref<32xi32, #tpu.memory_space<vmem>>
      %dma_start3A_494 = arith.constant 0 : i32
      %dma_start3A_495 = arith.constant 0 : i32
      %dma_start3A_496 = arith.constant 0 : i32
      %dma_start3A_497 = tpu.memref_slice %arg11[%dma_start3A_494, %dma_start3A_495, %dma_start3A_496] : memref<1001x2x128xbf16, #tpu.memory_space<hbm>> -> memref<1001x2x128xbf16, #tpu.memory_space<hbm>>
      tpu.enqueue_indirect_dma source(%dma_start3A_497 : memref<1001x2x128xbf16, #tpu.memory_space<hbm>>) target(%arg27 : memref<32x2x128xbf16, #tpu.memory_space<vmem>>) offsets(%dma_start3A_493 : memref<32xi32, #tpu.memory_space<vmem>>) semaphore(%arg40 : memref<!tpu.dma_semaphore, #tpu.memory_space<semaphore_mem>>)
      %ge3A_498 = arith.constant 2 : i32
      %ge3A_499 = arith.cmpi sge, %add3A_383, %ge3A_498 : i32
      %convert_element_type3A_500 = arith.extui %ge3A_499 : i1 to i32
      %cond3A_501 = arith.constant 0 : i32
      %cond3A_502 = arith.cmpi ne, %convert_element_type3A_500, %cond3A_501 : i32
      scf.if %cond3A_502 {
        %add3A_537 = arith.constant 1 : i32
        %add3A_538 = arith.addi %add3A_537, %mul3A_72 : i32
        %add3A_539 = arith.constant 0 : i32
        %add3A_540 = arith.addi %add3A_538, %add3A_539 : i32
        %dma_wait3A_541 = arith.constant 4 : i32
        %dma_wait3A_542 = arith.constant 0 : i32
        %dma_wait3A_543 = tpu.memref_slice %arg16[%add3A_540, %select_n3A_40, %dma_wait3A_541, %select_n3A_54, %dma_wait3A_542] : memref<2049x2x8x8x128xf32, #tpu.memory_space<hbm>> -> memref<32x1x2x1x128xf32, #tpu.memory_space<hbm>>
        %dma_wait3A_544 = tpu.memref_squeeze %dma_wait3A_543 : memref<32x1x2x1x128xf32, #tpu.memory_space<hbm>> -> memref<32x2x128xf32, #tpu.memory_space<hbm>>
        %dma_wait3A_545 = arith.constant 4 : i32
        %dma_wait3A_546 = arith.constant 0 : i32
        %dma_wait3A_547 = tpu.memref_slice %arg16[%add3A_540, %select_n3A_40, %dma_wait3A_545, %select_n3A_54, %dma_wait3A_546] : memref<2049x2x8x8x128xf32, #tpu.memory_space<hbm>> -> memref<32x1x2x1x128xf32, #tpu.memory_space<hbm>>
        %dma_wait3A_548 = tpu.memref_squeeze %dma_wait3A_547 : memref<32x1x2x1x128xf32, #tpu.memory_space<hbm>> -> memref<32x2x128xf32, #tpu.memory_space<hbm>>
        tpu.wait_dma2 semaphore(%arg42 : memref<!tpu.dma_semaphore, #tpu.memory_space<semaphore_mem>>) src(%arg29 : memref<32x2x128xf32, #tpu.memory_space<vmem>>) dst(%dma_wait3A_548 : memref<32x2x128xf32, #tpu.memory_space<hbm>>)
      } else {
      }
      %dma_wait3A_503 = arith.constant 0 : i32
      %dma_wait3A_504 = arith.constant 0 : i32
      %dma_wait3A_505 = arith.constant 0 : i32
      %dma_wait3A_506 = tpu.memref_slice %arg8[%dma_wait3A_503, %dma_wait3A_504, %dma_wait3A_505] : memref<1001x2x128xbf16, #tpu.memory_space<hbm>> -> memref<32x2x128xbf16, #tpu.memory_space<hbm>>
      %dma_wait3A_507 = arith.constant 0 : i32
      %dma_wait3A_508 = arith.constant 0 : i32
      %dma_wait3A_509 = arith.constant 0 : i32
      %dma_wait3A_510 = tpu.memref_slice %arg8[%dma_wait3A_507, %dma_wait3A_508, %dma_wait3A_509] : memref<1001x2x128xbf16, #tpu.memory_space<hbm>> -> memref<32x2x128xbf16, #tpu.memory_space<hbm>>
      tpu.wait_dma2 semaphore(%arg39 : memref<!tpu.dma_semaphore, #tpu.memory_space<semaphore_mem>>) src(%dma_wait3A_510 : memref<32x2x128xbf16, #tpu.memory_space<hbm>>) dst(%arg26 : memref<32x2x128xbf16, #tpu.memory_space<vmem>>)
      %dma_wait3A_511 = arith.constant 0 : i32
      %dma_wait3A_512 = arith.constant 0 : i32
      %dma_wait3A_513 = arith.constant 0 : i32
      %dma_wait3A_514 = tpu.memref_slice %arg8[%dma_wait3A_511, %dma_wait3A_512, %dma_wait3A_513] : memref<1001x2x128xbf16, #tpu.memory_space<hbm>> -> memref<32x2x128xbf16, #tpu.memory_space<hbm>>
      %dma_wait3A_515 = arith.constant 0 : i32
      %dma_wait3A_516 = arith.constant 0 : i32
      %dma_wait3A_517 = arith.constant 0 : i32
      %dma_wait3A_518 = tpu.memref_slice %arg8[%dma_wait3A_515, %dma_wait3A_516, %dma_wait3A_517] : memref<1001x2x128xbf16, #tpu.memory_space<hbm>> -> memref<32x2x128xbf16, #tpu.memory_space<hbm>>
      tpu.wait_dma2 semaphore(%arg40 : memref<!tpu.dma_semaphore, #tpu.memory_space<semaphore_mem>>) src(%dma_wait3A_518 : memref<32x2x128xbf16, #tpu.memory_space<hbm>>) dst(%arg27 : memref<32x2x128xbf16, #tpu.memory_space<vmem>>)
      %lt3A_519 = arith.constant 31 : i32
      %lt3A_520 = arith.cmpi slt, %add3A_383, %lt3A_519 : i32
      %convert_element_type3A_521 = arith.extui %lt3A_520 : i1 to i32
      %cond3A_522 = arith.constant 0 : i32
      %cond3A_523 = arith.cmpi ne, %convert_element_type3A_521, %cond3A_522 : i32
      scf.if %cond3A_523 {
        %add3A_537 = arith.constant 1 : i32
        %add3A_538 = arith.addi %add3A_383, %add3A_537 : i32
        %jit3A_539 = arith.constant 4 : i32
        %div3A_540 = arith.divsi %add3A_538, %jit3A_539 : i32
        %sign3A_541 = arith.constant 0 : i32
        %sign3A_542 = arith.cmpi sgt, %add3A_538, %sign3A_541 : i32
        %sign3A_543 = arith.extui %sign3A_542 : i1 to i32
        %sign3A_544 = arith.constant 0 : i32
        %sign3A_545 = arith.cmpi slt, %add3A_538, %sign3A_544 : i32
        %sign3A_546 = arith.extui %sign3A_545 : i1 to i32
        %sign3A_547 = arith.subi %sign3A_543, %sign3A_546 : i32
        %sign3A_548 = arith.constant 0 : i32
        %sign3A_549 = arith.cmpi sgt, %jit3A_539, %sign3A_548 : i32
        %sign3A_550 = arith.extui %sign3A_549 : i1 to i32
        %sign3A_551 = arith.constant 0 : i32
        %sign3A_552 = arith.cmpi slt, %jit3A_539, %sign3A_551 : i32
        %sign3A_553 = arith.extui %sign3A_552 : i1 to i32
        %sign3A_554 = arith.subi %sign3A_550, %sign3A_553 : i32
        %ne3A_555 = arith.cmpi ne, %sign3A_547, %sign3A_554 : i32
        %rem3A_556 = arith.remsi %add3A_538, %jit3A_539 : i32
        %ne3A_557 = arith.constant 0 : i32
        %ne3A_558 = arith.cmpi ne, %rem3A_556, %ne3A_557 : i32
        %and3A_559 = arith.andi %ne3A_555, %ne3A_558 : i1
        %sub3A_560 = arith.constant 1 : i32
        %sub3A_561 = arith.subi %div3A_540, %sub3A_560 : i32
        %select_n3A_562 = arith.select %and3A_559, %sub3A_561, %div3A_540 : i32
        %jit3A_563 = arith.constant 4 : i32
        %eq3A_564 = arith.constant 0 : i32
        %eq3A_565 = arith.cmpi eq, %jit3A_563, %eq3A_564 : i32
        %jit3A_566 = arith.constant 1 : i32
        %select_n3A_567 = arith.select %eq3A_565, %jit3A_566, %jit3A_563 : i32
        %rem3A_568 = arith.remsi %add3A_538, %select_n3A_567 : i32
        %ne3A_569 = arith.constant 0 : i32
        %ne3A_570 = arith.cmpi ne, %rem3A_568, %ne3A_569 : i32
        %lt3A_571 = arith.constant 0 : i32
        %lt3A_572 = arith.cmpi slt, %rem3A_568, %lt3A_571 : i32
        %lt3A_573 = arith.constant 0 : i32
        %lt3A_574 = arith.cmpi slt, %select_n3A_567, %lt3A_573 : i32
        %ne3A_575 = arith.xori %lt3A_572, %lt3A_574 : i1
        %and3A_576 = arith.andi %ne3A_575, %ne3A_570 : i1
        %add3A_577 = arith.addi %rem3A_568, %select_n3A_567 : i32
        %select_n3A_578 = arith.select %and3A_576, %add3A_577, %rem3A_568 : i32
        %mul3A_579 = arith.constant 32 : i32
        %mul3A_580 = arith.muli %select_n3A_578, %mul3A_579 : i32
        %dma_start3A_581 = arith.constant 4 : i32
        %dma_start3A_582 = tpu.memref_slice %arg17[%dma_start3A_581, %select_n3A_562, %mul3A_580] : memref<12x8x128xi32, #tpu.memory_space<vmem>> -> memref<1x1x32xi32, #tpu.memory_space<vmem>>
        %dma_start3A_583 = tpu.memref_squeeze %dma_start3A_582 : memref<1x1x32xi32, #tpu.memory_space<vmem>> -> memref<32xi32, #tpu.memory_space<vmem>>
        %dma_start3A_584 = arith.constant 0 : i32
        %dma_start3A_585 = arith.constant 0 : i32
        %dma_start3A_586 = arith.constant 0 : i32
        %dma_start3A_587 = tpu.memref_slice %arg8[%dma_start3A_584, %dma_start3A_585, %dma_start3A_586] : memref<1001x2x128xbf16, #tpu.memory_space<hbm>> -> memref<1001x2x128xbf16, #tpu.memory_space<hbm>>
        tpu.enqueue_indirect_dma source(%dma_start3A_587 : memref<1001x2x128xbf16, #tpu.memory_space<hbm>>) target(%arg24 : memref<32x2x128xbf16, #tpu.memory_space<vmem>>) offsets(%dma_start3A_583 : memref<32xi32, #tpu.memory_space<vmem>>) semaphore(%arg37 : memref<!tpu.dma_semaphore, #tpu.memory_space<semaphore_mem>>)
        %add3A_588 = arith.constant 1 : i32
        %add3A_589 = arith.addi %add3A_383, %add3A_588 : i32
        %jit3A_590 = arith.constant 4 : i32
        %div3A_591 = arith.divsi %add3A_589, %jit3A_590 : i32
        %sign3A_592 = arith.constant 0 : i32
        %sign3A_593 = arith.cmpi sgt, %add3A_589, %sign3A_592 : i32
        %sign3A_594 = arith.extui %sign3A_593 : i1 to i32
        %sign3A_595 = arith.constant 0 : i32
        %sign3A_596 = arith.cmpi slt, %add3A_589, %sign3A_595 : i32
        %sign3A_597 = arith.extui %sign3A_596 : i1 to i32
        %sign3A_598 = arith.subi %sign3A_594, %sign3A_597 : i32
        %sign3A_599 = arith.constant 0 : i32
        %sign3A_600 = arith.cmpi sgt, %jit3A_590, %sign3A_599 : i32
        %sign3A_601 = arith.extui %sign3A_600 : i1 to i32
        %sign3A_602 = arith.constant 0 : i32
        %sign3A_603 = arith.cmpi slt, %jit3A_590, %sign3A_602 : i32
        %sign3A_604 = arith.extui %sign3A_603 : i1 to i32
        %sign3A_605 = arith.subi %sign3A_601, %sign3A_604 : i32
        %ne3A_606 = arith.cmpi ne, %sign3A_598, %sign3A_605 : i32
        %rem3A_607 = arith.remsi %add3A_589, %jit3A_590 : i32
        %ne3A_608 = arith.constant 0 : i32
        %ne3A_609 = arith.cmpi ne, %rem3A_607, %ne3A_608 : i32
        %and3A_610 = arith.andi %ne3A_606, %ne3A_609 : i1
        %sub3A_611 = arith.constant 1 : i32
        %sub3A_612 = arith.subi %div3A_591, %sub3A_611 : i32
        %select_n3A_613 = arith.select %and3A_610, %sub3A_612, %div3A_591 : i32
        %jit3A_614 = arith.constant 4 : i32
        %eq3A_615 = arith.constant 0 : i32
        %eq3A_616 = arith.cmpi eq, %jit3A_614, %eq3A_615 : i32
        %jit3A_617 = arith.constant 1 : i32
        %select_n3A_618 = arith.select %eq3A_616, %jit3A_617, %jit3A_614 : i32
        %rem3A_619 = arith.remsi %add3A_589, %select_n3A_618 : i32
        %ne3A_620 = arith.constant 0 : i32
        %ne3A_621 = arith.cmpi ne, %rem3A_619, %ne3A_620 : i32
        %lt3A_622 = arith.constant 0 : i32
        %lt3A_623 = arith.cmpi slt, %rem3A_619, %lt3A_622 : i32
        %lt3A_624 = arith.constant 0 : i32
        %lt3A_625 = arith.cmpi slt, %select_n3A_618, %lt3A_624 : i32
        %ne3A_626 = arith.xori %lt3A_623, %lt3A_625 : i1
        %and3A_627 = arith.andi %ne3A_626, %ne3A_621 : i1
        %add3A_628 = arith.addi %rem3A_619, %select_n3A_618 : i32
        %select_n3A_629 = arith.select %and3A_627, %add3A_628, %rem3A_619 : i32
        %mul3A_630 = arith.constant 32 : i32
        %mul3A_631 = arith.muli %select_n3A_629, %mul3A_630 : i32
        %dma_start3A_632 = arith.constant 5 : i32
        %dma_start3A_633 = tpu.memref_slice %arg17[%dma_start3A_632, %select_n3A_613, %mul3A_631] : memref<12x8x128xi32, #tpu.memory_space<vmem>> -> memref<1x1x32xi32, #tpu.memory_space<vmem>>
        %dma_start3A_634 = tpu.memref_squeeze %dma_start3A_633 : memref<1x1x32xi32, #tpu.memory_space<vmem>> -> memref<32xi32, #tpu.memory_space<vmem>>
        %dma_start3A_635 = arith.constant 0 : i32
        %dma_start3A_636 = arith.constant 0 : i32
        %dma_start3A_637 = arith.constant 0 : i32
        %dma_start3A_638 = tpu.memref_slice %arg9[%dma_start3A_635, %dma_start3A_636, %dma_start3A_637] : memref<1001x2x128xbf16, #tpu.memory_space<hbm>> -> memref<1001x2x128xbf16, #tpu.memory_space<hbm>>
        tpu.enqueue_indirect_dma source(%dma_start3A_638 : memref<1001x2x128xbf16, #tpu.memory_space<hbm>>) target(%arg25 : memref<32x2x128xbf16, #tpu.memory_space<vmem>>) offsets(%dma_start3A_634 : memref<32xi32, #tpu.memory_space<vmem>>) semaphore(%arg38 : memref<!tpu.dma_semaphore, #tpu.memory_space<semaphore_mem>>)
      } else {
      }
      %add3A_524 = arith.constant 1 : i32
      %add3A_525 = arith.addi %add3A_524, %mul3A_72 : i32
      %mul3A_526 = arith.constant 32 : i32
      %mul3A_527 = arith.muli %add3A_383, %mul3A_526 : i32
      %add3A_528 = arith.addi %add3A_525, %mul3A_527 : i32
      %dma_start3A_529 = arith.constant 4 : i32
      %dma_start3A_530 = arith.constant 0 : i32
      %dma_start3A_531 = tpu.memref_slice %arg16[%add3A_528, %select_n3A_40, %dma_start3A_529, %select_n3A_54, %dma_start3A_530] : memref<2049x2x8x8x128xf32, #tpu.memory_space<hbm>> -> memref<32x1x2x1x128xf32, #tpu.memory_space<hbm>>
      %dma_start3A_532 = tpu.memref_squeeze %dma_start3A_531 : memref<32x1x2x1x128xf32, #tpu.memory_space<hbm>> -> memref<32x2x128xf32, #tpu.memory_space<hbm>>
      %dma_start3A_533 = arith.constant 4 : i32
      %dma_start3A_534 = arith.constant 0 : i32
      %dma_start3A_535 = tpu.memref_slice %arg16[%add3A_528, %select_n3A_40, %dma_start3A_533, %select_n3A_54, %dma_start3A_534] : memref<2049x2x8x8x128xf32, #tpu.memory_space<hbm>> -> memref<32x1x2x1x128xf32, #tpu.memory_space<hbm>>
      %dma_start3A_536 = tpu.memref_squeeze %dma_start3A_535 : memref<32x1x2x1x128xf32, #tpu.memory_space<hbm>> -> memref<32x2x128xf32, #tpu.memory_space<hbm>>
      tpu.enqueue_dma source(%arg29 : memref<32x2x128xf32, #tpu.memory_space<vmem>>) target(%dma_start3A_536 : memref<32x2x128xf32, #tpu.memory_space<hbm>>) target_semaphore(%arg42 : memref<!tpu.dma_semaphore, #tpu.memory_space<semaphore_mem>>)
    }
    %scan3A_129 = arith.constant 16 : i32
    %add3A_130 = arith.constant 1 : i32
    %add3A_131 = arith.addi %add3A_130, %mul3A_72 : i32
    %add3A_132 = arith.constant 0 : i32
    %add3A_133 = arith.addi %add3A_131, %add3A_132 : i32
    %dma_wait3A = arith.constant 4 : i32
    %dma_wait3A_134 = arith.constant 0 : i32
    %dma_wait3A_135 = tpu.memref_slice %arg16[%add3A_133, %select_n3A_40, %dma_wait3A, %select_n3A_54, %dma_wait3A_134] : memref<2049x2x8x8x128xf32, #tpu.memory_space<hbm>> -> memref<32x1x2x1x128xf32, #tpu.memory_space<hbm>>
    %dma_wait3A_136 = tpu.memref_squeeze %dma_wait3A_135 : memref<32x1x2x1x128xf32, #tpu.memory_space<hbm>> -> memref<32x2x128xf32, #tpu.memory_space<hbm>>
    %dma_wait3A_137 = arith.constant 4 : i32
    %dma_wait3A_138 = arith.constant 0 : i32
    %dma_wait3A_139 = tpu.memref_slice %arg16[%add3A_133, %select_n3A_40, %dma_wait3A_137, %select_n3A_54, %dma_wait3A_138] : memref<2049x2x8x8x128xf32, #tpu.memory_space<hbm>> -> memref<32x1x2x1x128xf32, #tpu.memory_space<hbm>>
    %dma_wait3A_140 = tpu.memref_squeeze %dma_wait3A_139 : memref<32x1x2x1x128xf32, #tpu.memory_space<hbm>> -> memref<32x2x128xf32, #tpu.memory_space<hbm>>
    tpu.wait_dma2 semaphore(%arg41 : memref<!tpu.dma_semaphore, #tpu.memory_space<semaphore_mem>>) src(%arg28 : memref<32x2x128xf32, #tpu.memory_space<vmem>>) dst(%dma_wait3A_140 : memref<32x2x128xf32, #tpu.memory_space<hbm>>)
    %add3A_141 = arith.constant 1 : i32
    %add3A_142 = arith.addi %add3A_141, %mul3A_72 : i32
    %add3A_143 = arith.constant 0 : i32
    %add3A_144 = arith.addi %add3A_142, %add3A_143 : i32
    %dma_wait3A_145 = arith.constant 4 : i32
    %dma_wait3A_146 = arith.constant 0 : i32
    %dma_wait3A_147 = tpu.memref_slice %arg16[%add3A_144, %select_n3A_40, %dma_wait3A_145, %select_n3A_54, %dma_wait3A_146] : memref<2049x2x8x8x128xf32, #tpu.memory_space<hbm>> -> memref<32x1x2x1x128xf32, #tpu.memory_space<hbm>>
    %dma_wait3A_148 = tpu.memref_squeeze %dma_wait3A_147 : memref<32x1x2x1x128xf32, #tpu.memory_space<hbm>> -> memref<32x2x128xf32, #tpu.memory_space<hbm>>
    %dma_wait3A_149 = arith.constant 4 : i32
    %dma_wait3A_150 = arith.constant 0 : i32
    %dma_wait3A_151 = tpu.memref_slice %arg16[%add3A_144, %select_n3A_40, %dma_wait3A_149, %select_n3A_54, %dma_wait3A_150] : memref<2049x2x8x8x128xf32, #tpu.memory_space<hbm>> -> memref<32x1x2x1x128xf32, #tpu.memory_space<hbm>>
    %dma_wait3A_152 = tpu.memref_squeeze %dma_wait3A_151 : memref<32x1x2x1x128xf32, #tpu.memory_space<hbm>> -> memref<32x2x128xf32, #tpu.memory_space<hbm>>
    tpu.wait_dma2 semaphore(%arg42 : memref<!tpu.dma_semaphore, #tpu.memory_space<semaphore_mem>>) src(%arg29 : memref<32x2x128xf32, #tpu.memory_space<vmem>>) dst(%dma_wait3A_152 : memref<32x2x128xf32, #tpu.memory_space<hbm>>)
    %dma_start3A_153 = arith.constant 8 : i32
    %dma_start3A_154 = arith.constant 0 : i32
    %dma_start3A_155 = arith.constant 0 : i32
    %dma_start3A_156 = tpu.memref_slice %arg17[%dma_start3A_153, %dma_start3A_154, %dma_start3A_155] : memref<12x8x128xi32, #tpu.memory_space<vmem>> -> memref<1x1x32xi32, #tpu.memory_space<vmem>>
    %dma_start3A_157 = tpu.memref_squeeze %dma_start3A_156 : memref<1x1x32xi32, #tpu.memory_space<vmem>> -> memref<32xi32, #tpu.memory_space<vmem>>
    %dma_start3A_158 = arith.constant 0 : i32
    %dma_start3A_159 = arith.constant 0 : i32
    %dma_start3A_160 = arith.constant 0 : i32
    %dma_start3A_161 = tpu.memref_slice %arg12[%dma_start3A_158, %dma_start3A_159, %dma_start3A_160] : memref<1001x2x128xbf16, #tpu.memory_space<hbm>> -> memref<1001x2x128xbf16, #tpu.memory_space<hbm>>
    tpu.enqueue_indirect_dma source(%dma_start3A_161 : memref<1001x2x128xbf16, #tpu.memory_space<hbm>>) target(%arg24 : memref<32x2x128xbf16, #tpu.memory_space<vmem>>) offsets(%dma_start3A_157 : memref<32xi32, #tpu.memory_space<vmem>>) semaphore(%arg37 : memref<!tpu.dma_semaphore, #tpu.memory_space<semaphore_mem>>)
    %dma_start3A_162 = arith.constant 9 : i32
    %dma_start3A_163 = arith.constant 0 : i32
    %dma_start3A_164 = arith.constant 0 : i32
    %dma_start3A_165 = tpu.memref_slice %arg17[%dma_start3A_162, %dma_start3A_163, %dma_start3A_164] : memref<12x8x128xi32, #tpu.memory_space<vmem>> -> memref<1x1x32xi32, #tpu.memory_space<vmem>>
    %dma_start3A_166 = tpu.memref_squeeze %dma_start3A_165 : memref<1x1x32xi32, #tpu.memory_space<vmem>> -> memref<32xi32, #tpu.memory_space<vmem>>
    %dma_start3A_167 = arith.constant 0 : i32
    %dma_start3A_168 = arith.constant 0 : i32
    %dma_start3A_169 = arith.constant 0 : i32
    %dma_start3A_170 = tpu.memref_slice %arg13[%dma_start3A_167, %dma_start3A_168, %dma_start3A_169] : memref<1001x2x128xbf16, #tpu.memory_space<hbm>> -> memref<1001x2x128xbf16, #tpu.memory_space<hbm>>
    tpu.enqueue_indirect_dma source(%dma_start3A_170 : memref<1001x2x128xbf16, #tpu.memory_space<hbm>>) target(%arg25 : memref<32x2x128xbf16, #tpu.memory_space<vmem>>) offsets(%dma_start3A_166 : memref<32xi32, #tpu.memory_space<vmem>>) semaphore(%arg38 : memref<!tpu.dma_semaphore, #tpu.memory_space<semaphore_mem>>)
    %scan3A_171 = arith.constant 0 : i32
    %scan3A_172 = arith.constant 0 : i32
    %scan3A_173 = arith.constant 16 : i32
    %scan3A_174 = arith.addi %scan3A_172, %scan3A_173 : i32
    %scan3A_175 = arith.constant 1 : i32
    scf.for %scan3A_225 = %scan3A_172 to %scan3A_174 step %scan3A_175  : i32 {
      %mul3A_226 = arith.constant 2 : i32
      %mul3A_227 = arith.muli %mul3A_226, %scan3A_225 : i32
      %dma_wait3A_228 = arith.constant 0 : i32
      %dma_wait3A_229 = arith.constant 0 : i32
      %dma_wait3A_230 = arith.constant 0 : i32
      %dma_wait3A_231 = tpu.memref_slice %arg12[%dma_wait3A_228, %dma_wait3A_229, %dma_wait3A_230] : memref<1001x2x128xbf16, #tpu.memory_space<hbm>> -> memref<32x2x128xbf16, #tpu.memory_space<hbm>>
      %dma_wait3A_232 = arith.constant 0 : i32
      %dma_wait3A_233 = arith.constant 0 : i32
      %dma_wait3A_234 = arith.constant 0 : i32
      %dma_wait3A_235 = tpu.memref_slice %arg12[%dma_wait3A_232, %dma_wait3A_233, %dma_wait3A_234] : memref<1001x2x128xbf16, #tpu.memory_space<hbm>> -> memref<32x2x128xbf16, #tpu.memory_space<hbm>>
      tpu.wait_dma2 semaphore(%arg37 : memref<!tpu.dma_semaphore, #tpu.memory_space<semaphore_mem>>) src(%dma_wait3A_235 : memref<32x2x128xbf16, #tpu.memory_space<hbm>>) dst(%arg24 : memref<32x2x128xbf16, #tpu.memory_space<vmem>>)
      %dma_wait3A_236 = arith.constant 0 : i32
      %dma_wait3A_237 = arith.constant 0 : i32
      %dma_wait3A_238 = arith.constant 0 : i32
      %dma_wait3A_239 = tpu.memref_slice %arg12[%dma_wait3A_236, %dma_wait3A_237, %dma_wait3A_238] : memref<1001x2x128xbf16, #tpu.memory_space<hbm>> -> memref<32x2x128xbf16, #tpu.memory_space<hbm>>
      %dma_wait3A_240 = arith.constant 0 : i32
      %dma_wait3A_241 = arith.constant 0 : i32
      %dma_wait3A_242 = arith.constant 0 : i32
      %dma_wait3A_243 = tpu.memref_slice %arg12[%dma_wait3A_240, %dma_wait3A_241, %dma_wait3A_242] : memref<1001x2x128xbf16, #tpu.memory_space<hbm>> -> memref<32x2x128xbf16, #tpu.memory_space<hbm>>
      tpu.wait_dma2 semaphore(%arg38 : memref<!tpu.dma_semaphore, #tpu.memory_space<semaphore_mem>>) src(%dma_wait3A_243 : memref<32x2x128xbf16, #tpu.memory_space<hbm>>) dst(%arg25 : memref<32x2x128xbf16, #tpu.memory_space<vmem>>)
      %jit3A_244 = arith.constant 4 : i32
      %div3A_245 = arith.divsi %mul3A_227, %jit3A_244 : i32
      %sign3A_246 = arith.constant 0 : i32
      %sign3A_247 = arith.cmpi sgt, %mul3A_227, %sign3A_246 : i32
      %sign3A_248 = arith.extui %sign3A_247 : i1 to i32
      %sign3A_249 = arith.constant 0 : i32
      %sign3A_250 = arith.cmpi slt, %mul3A_227, %sign3A_249 : i32
      %sign3A_251 = arith.extui %sign3A_250 : i1 to i32
      %sign3A_252 = arith.subi %sign3A_248, %sign3A_251 : i32
      %sign3A_253 = arith.constant 0 : i32
      %sign3A_254 = arith.cmpi sgt, %jit3A_244, %sign3A_253 : i32
      %sign3A_255 = arith.extui %sign3A_254 : i1 to i32
      %sign3A_256 = arith.constant 0 : i32
      %sign3A_257 = arith.cmpi slt, %jit3A_244, %sign3A_256 : i32
      %sign3A_258 = arith.extui %sign3A_257 : i1 to i32
      %sign3A_259 = arith.subi %sign3A_255, %sign3A_258 : i32
      %ne3A_260 = arith.cmpi ne, %sign3A_252, %sign3A_259 : i32
      %rem3A_261 = arith.remsi %mul3A_227, %jit3A_244 : i32
      %ne3A_262 = arith.constant 0 : i32
      %ne3A_263 = arith.cmpi ne, %rem3A_261, %ne3A_262 : i32
      %and3A_264 = arith.andi %ne3A_260, %ne3A_263 : i1
      %sub3A_265 = arith.constant 1 : i32
      %sub3A_266 = arith.subi %div3A_245, %sub3A_265 : i32
      %select_n3A_267 = arith.select %and3A_264, %sub3A_266, %div3A_245 : i32
      %jit3A_268 = arith.constant 4 : i32
      %eq3A_269 = arith.constant 0 : i32
      %eq3A_270 = arith.cmpi eq, %jit3A_268, %eq3A_269 : i32
      %jit3A_271 = arith.constant 1 : i32
      %select_n3A_272 = arith.select %eq3A_270, %jit3A_271, %jit3A_268 : i32
      %rem3A_273 = arith.remsi %mul3A_227, %select_n3A_272 : i32
      %ne3A_274 = arith.constant 0 : i32
      %ne3A_275 = arith.cmpi ne, %rem3A_273, %ne3A_274 : i32
      %lt3A_276 = arith.constant 0 : i32
      %lt3A_277 = arith.cmpi slt, %rem3A_273, %lt3A_276 : i32
      %lt3A_278 = arith.constant 0 : i32
      %lt3A_279 = arith.cmpi slt, %select_n3A_272, %lt3A_278 : i32
      %ne3A_280 = arith.xori %lt3A_277, %lt3A_279 : i1
      %and3A_281 = arith.andi %ne3A_280, %ne3A_275 : i1
      %add3A_282 = arith.addi %rem3A_273, %select_n3A_272 : i32
      %select_n3A_283 = arith.select %and3A_281, %add3A_282, %rem3A_273 : i32
      %mul3A_284 = arith.constant 32 : i32
      %mul3A_285 = arith.muli %select_n3A_283, %mul3A_284 : i32
      %dma_start3A_286 = arith.constant 10 : i32
      %dma_start3A_287 = tpu.memref_slice %arg17[%dma_start3A_286, %select_n3A_267, %mul3A_285] : memref<12x8x128xi32, #tpu.memory_space<vmem>> -> memref<1x1x32xi32, #tpu.memory_space<vmem>>
      %dma_start3A_288 = tpu.memref_squeeze %dma_start3A_287 : memref<1x1x32xi32, #tpu.memory_space<vmem>> -> memref<32xi32, #tpu.memory_space<vmem>>
      %dma_start3A_289 = arith.constant 0 : i32
      %dma_start3A_290 = arith.constant 0 : i32
      %dma_start3A_291 = arith.constant 0 : i32
      %dma_start3A_292 = tpu.memref_slice %arg14[%dma_start3A_289, %dma_start3A_290, %dma_start3A_291] : memref<1001x2x128xbf16, #tpu.memory_space<hbm>> -> memref<1001x2x128xbf16, #tpu.memory_space<hbm>>
      tpu.enqueue_indirect_dma source(%dma_start3A_292 : memref<1001x2x128xbf16, #tpu.memory_space<hbm>>) target(%arg26 : memref<32x2x128xbf16, #tpu.memory_space<vmem>>) offsets(%dma_start3A_288 : memref<32xi32, #tpu.memory_space<vmem>>) semaphore(%arg39 : memref<!tpu.dma_semaphore, #tpu.memory_space<semaphore_mem>>)
      %jit3A_293 = arith.constant 4 : i32
      %div3A_294 = arith.divsi %mul3A_227, %jit3A_293 : i32
      %sign3A_295 = arith.constant 0 : i32
      %sign3A_296 = arith.cmpi sgt, %mul3A_227, %sign3A_295 : i32
      %sign3A_297 = arith.extui %sign3A_296 : i1 to i32
      %sign3A_298 = arith.constant 0 : i32
      %sign3A_299 = arith.cmpi slt, %mul3A_227, %sign3A_298 : i32
      %sign3A_300 = arith.extui %sign3A_299 : i1 to i32
      %sign3A_301 = arith.subi %sign3A_297, %sign3A_300 : i32
      %sign3A_302 = arith.constant 0 : i32
      %sign3A_303 = arith.cmpi sgt, %jit3A_293, %sign3A_302 : i32
      %sign3A_304 = arith.extui %sign3A_303 : i1 to i32
      %sign3A_305 = arith.constant 0 : i32
      %sign3A_306 = arith.cmpi slt, %jit3A_293, %sign3A_305 : i32
      %sign3A_307 = arith.extui %sign3A_306 : i1 to i32
      %sign3A_308 = arith.subi %sign3A_304, %sign3A_307 : i32
      %ne3A_309 = arith.cmpi ne, %sign3A_301, %sign3A_308 : i32
      %rem3A_310 = arith.remsi %mul3A_227, %jit3A_293 : i32
      %ne3A_311 = arith.constant 0 : i32
      %ne3A_312 = arith.cmpi ne, %rem3A_310, %ne3A_311 : i32
      %and3A_313 = arith.andi %ne3A_309, %ne3A_312 : i1
      %sub3A_314 = arith.constant 1 : i32
      %sub3A_315 = arith.subi %div3A_294, %sub3A_314 : i32
      %select_n3A_316 = arith.select %and3A_313, %sub3A_315, %div3A_294 : i32
      %jit3A_317 = arith.constant 4 : i32
      %eq3A_318 = arith.constant 0 : i32
      %eq3A_319 = arith.cmpi eq, %jit3A_317, %eq3A_318 : i32
      %jit3A_320 = arith.constant 1 : i32
      %select_n3A_321 = arith.select %eq3A_319, %jit3A_320, %jit3A_317 : i32
      %rem3A_322 = arith.remsi %mul3A_227, %select_n3A_321 : i32
      %ne3A_323 = arith.constant 0 : i32
      %ne3A_324 = arith.cmpi ne, %rem3A_322, %ne3A_323 : i32
      %lt3A_325 = arith.constant 0 : i32
      %lt3A_326 = arith.cmpi slt, %rem3A_322, %lt3A_325 : i32
      %lt3A_327 = arith.constant 0 : i32
      %lt3A_328 = arith.cmpi slt, %select_n3A_321, %lt3A_327 : i32
      %ne3A_329 = arith.xori %lt3A_326, %lt3A_328 : i1
      %and3A_330 = arith.andi %ne3A_329, %ne3A_324 : i1
      %add3A_331 = arith.addi %rem3A_322, %select_n3A_321 : i32
      %select_n3A_332 = arith.select %and3A_330, %add3A_331, %rem3A_322 : i32
      %mul3A_333 = arith.constant 32 : i32
      %mul3A_334 = arith.muli %select_n3A_332, %mul3A_333 : i32
      %dma_start3A_335 = arith.constant 11 : i32
      %dma_start3A_336 = tpu.memref_slice %arg17[%dma_start3A_335, %select_n3A_316, %mul3A_334] : memref<12x8x128xi32, #tpu.memory_space<vmem>> -> memref<1x1x32xi32, #tpu.memory_space<vmem>>
      %dma_start3A_337 = tpu.memref_squeeze %dma_start3A_336 : memref<1x1x32xi32, #tpu.memory_space<vmem>> -> memref<32xi32, #tpu.memory_space<vmem>>
      %dma_start3A_338 = arith.constant 0 : i32
      %dma_start3A_339 = arith.constant 0 : i32
      %dma_start3A_340 = arith.constant 0 : i32
      %dma_start3A_341 = tpu.memref_slice %arg15[%dma_start3A_338, %dma_start3A_339, %dma_start3A_340] : memref<1001x2x128xbf16, #tpu.memory_space<hbm>> -> memref<1001x2x128xbf16, #tpu.memory_space<hbm>>
      tpu.enqueue_indirect_dma source(%dma_start3A_341 : memref<1001x2x128xbf16, #tpu.memory_space<hbm>>) target(%arg27 : memref<32x2x128xbf16, #tpu.memory_space<vmem>>) offsets(%dma_start3A_337 : memref<32xi32, #tpu.memory_space<vmem>>) semaphore(%arg40 : memref<!tpu.dma_semaphore, #tpu.memory_space<semaphore_mem>>)
      %ge3A = arith.constant 2 : i32
      %ge3A_342 = arith.cmpi sge, %mul3A_227, %ge3A : i32
      %convert_element_type3A_343 = arith.extui %ge3A_342 : i1 to i32
      %cond3A_344 = arith.constant 0 : i32
      %cond3A_345 = arith.cmpi ne, %convert_element_type3A_343, %cond3A_344 : i32
      scf.if %cond3A_345 {
        %add3A_537 = arith.constant 1 : i32
        %add3A_538 = arith.addi %add3A_537, %mul3A_72 : i32
        %add3A_539 = arith.constant 0 : i32
        %add3A_540 = arith.addi %add3A_538, %add3A_539 : i32
        %dma_wait3A_541 = arith.constant 6 : i32
        %dma_wait3A_542 = arith.constant 0 : i32
        %dma_wait3A_543 = tpu.memref_slice %arg16[%add3A_540, %select_n3A_40, %dma_wait3A_541, %select_n3A_54, %dma_wait3A_542] : memref<2049x2x8x8x128xf32, #tpu.memory_space<hbm>> -> memref<32x1x2x1x128xf32, #tpu.memory_space<hbm>>
        %dma_wait3A_544 = tpu.memref_squeeze %dma_wait3A_543 : memref<32x1x2x1x128xf32, #tpu.memory_space<hbm>> -> memref<32x2x128xf32, #tpu.memory_space<hbm>>
        %dma_wait3A_545 = arith.constant 6 : i32
        %dma_wait3A_546 = arith.constant 0 : i32
        %dma_wait3A_547 = tpu.memref_slice %arg16[%add3A_540, %select_n3A_40, %dma_wait3A_545, %select_n3A_54, %dma_wait3A_546] : memref<2049x2x8x8x128xf32, #tpu.memory_space<hbm>> -> memref<32x1x2x1x128xf32, #tpu.memory_space<hbm>>
        %dma_wait3A_548 = tpu.memref_squeeze %dma_wait3A_547 : memref<32x1x2x1x128xf32, #tpu.memory_space<hbm>> -> memref<32x2x128xf32, #tpu.memory_space<hbm>>
        tpu.wait_dma2 semaphore(%arg41 : memref<!tpu.dma_semaphore, #tpu.memory_space<semaphore_mem>>) src(%arg28 : memref<32x2x128xf32, #tpu.memory_space<vmem>>) dst(%dma_wait3A_548 : memref<32x2x128xf32, #tpu.memory_space<hbm>>)
      } else {
      }
      %dma_wait3A_346 = arith.constant 0 : i32
      %dma_wait3A_347 = arith.constant 0 : i32
      %dma_wait3A_348 = arith.constant 0 : i32
      %dma_wait3A_349 = tpu.memref_slice %arg12[%dma_wait3A_346, %dma_wait3A_347, %dma_wait3A_348] : memref<1001x2x128xbf16, #tpu.memory_space<hbm>> -> memref<32x2x128xbf16, #tpu.memory_space<hbm>>
      %dma_wait3A_350 = arith.constant 0 : i32
      %dma_wait3A_351 = arith.constant 0 : i32
      %dma_wait3A_352 = arith.constant 0 : i32
      %dma_wait3A_353 = tpu.memref_slice %arg12[%dma_wait3A_350, %dma_wait3A_351, %dma_wait3A_352] : memref<1001x2x128xbf16, #tpu.memory_space<hbm>> -> memref<32x2x128xbf16, #tpu.memory_space<hbm>>
      tpu.wait_dma2 semaphore(%arg39 : memref<!tpu.dma_semaphore, #tpu.memory_space<semaphore_mem>>) src(%dma_wait3A_353 : memref<32x2x128xbf16, #tpu.memory_space<hbm>>) dst(%arg26 : memref<32x2x128xbf16, #tpu.memory_space<vmem>>)
      %dma_wait3A_354 = arith.constant 0 : i32
      %dma_wait3A_355 = arith.constant 0 : i32
      %dma_wait3A_356 = arith.constant 0 : i32
      %dma_wait3A_357 = tpu.memref_slice %arg12[%dma_wait3A_354, %dma_wait3A_355, %dma_wait3A_356] : memref<1001x2x128xbf16, #tpu.memory_space<hbm>> -> memref<32x2x128xbf16, #tpu.memory_space<hbm>>
      %dma_wait3A_358 = arith.constant 0 : i32
      %dma_wait3A_359 = arith.constant 0 : i32
      %dma_wait3A_360 = arith.constant 0 : i32
      %dma_wait3A_361 = tpu.memref_slice %arg12[%dma_wait3A_358, %dma_wait3A_359, %dma_wait3A_360] : memref<1001x2x128xbf16, #tpu.memory_space<hbm>> -> memref<32x2x128xbf16, #tpu.memory_space<hbm>>
      tpu.wait_dma2 semaphore(%arg40 : memref<!tpu.dma_semaphore, #tpu.memory_space<semaphore_mem>>) src(%dma_wait3A_361 : memref<32x2x128xbf16, #tpu.memory_space<hbm>>) dst(%arg27 : memref<32x2x128xbf16, #tpu.memory_space<vmem>>)
      %lt3A_362 = arith.constant 31 : i32
      %lt3A_363 = arith.cmpi slt, %mul3A_227, %lt3A_362 : i32
      %convert_element_type3A_364 = arith.extui %lt3A_363 : i1 to i32
      %cond3A_365 = arith.constant 0 : i32
      %cond3A_366 = arith.cmpi ne, %convert_element_type3A_364, %cond3A_365 : i32
      scf.if %cond3A_366 {
        %add3A_537 = arith.constant 1 : i32
        %add3A_538 = arith.addi %mul3A_227, %add3A_537 : i32
        %jit3A_539 = arith.constant 4 : i32
        %div3A_540 = arith.divsi %add3A_538, %jit3A_539 : i32
        %sign3A_541 = arith.constant 0 : i32
        %sign3A_542 = arith.cmpi sgt, %add3A_538, %sign3A_541 : i32
        %sign3A_543 = arith.extui %sign3A_542 : i1 to i32
        %sign3A_544 = arith.constant 0 : i32
        %sign3A_545 = arith.cmpi slt, %add3A_538, %sign3A_544 : i32
        %sign3A_546 = arith.extui %sign3A_545 : i1 to i32
        %sign3A_547 = arith.subi %sign3A_543, %sign3A_546 : i32
        %sign3A_548 = arith.constant 0 : i32
        %sign3A_549 = arith.cmpi sgt, %jit3A_539, %sign3A_548 : i32
        %sign3A_550 = arith.extui %sign3A_549 : i1 to i32
        %sign3A_551 = arith.constant 0 : i32
        %sign3A_552 = arith.cmpi slt, %jit3A_539, %sign3A_551 : i32
        %sign3A_553 = arith.extui %sign3A_552 : i1 to i32
        %sign3A_554 = arith.subi %sign3A_550, %sign3A_553 : i32
        %ne3A_555 = arith.cmpi ne, %sign3A_547, %sign3A_554 : i32
        %rem3A_556 = arith.remsi %add3A_538, %jit3A_539 : i32
        %ne3A_557 = arith.constant 0 : i32
        %ne3A_558 = arith.cmpi ne, %rem3A_556, %ne3A_557 : i32
        %and3A_559 = arith.andi %ne3A_555, %ne3A_558 : i1
        %sub3A_560 = arith.constant 1 : i32
        %sub3A_561 = arith.subi %div3A_540, %sub3A_560 : i32
        %select_n3A_562 = arith.select %and3A_559, %sub3A_561, %div3A_540 : i32
        %jit3A_563 = arith.constant 4 : i32
        %eq3A_564 = arith.constant 0 : i32
        %eq3A_565 = arith.cmpi eq, %jit3A_563, %eq3A_564 : i32
        %jit3A_566 = arith.constant 1 : i32
        %select_n3A_567 = arith.select %eq3A_565, %jit3A_566, %jit3A_563 : i32
        %rem3A_568 = arith.remsi %add3A_538, %select_n3A_567 : i32
        %ne3A_569 = arith.constant 0 : i32
        %ne3A_570 = arith.cmpi ne, %rem3A_568, %ne3A_569 : i32
        %lt3A_571 = arith.constant 0 : i32
        %lt3A_572 = arith.cmpi slt, %rem3A_568, %lt3A_571 : i32
        %lt3A_573 = arith.constant 0 : i32
        %lt3A_574 = arith.cmpi slt, %select_n3A_567, %lt3A_573 : i32
        %ne3A_575 = arith.xori %lt3A_572, %lt3A_574 : i1
        %and3A_576 = arith.andi %ne3A_575, %ne3A_570 : i1
        %add3A_577 = arith.addi %rem3A_568, %select_n3A_567 : i32
        %select_n3A_578 = arith.select %and3A_576, %add3A_577, %rem3A_568 : i32
        %mul3A_579 = arith.constant 32 : i32
        %mul3A_580 = arith.muli %select_n3A_578, %mul3A_579 : i32
        %dma_start3A_581 = arith.constant 8 : i32
        %dma_start3A_582 = tpu.memref_slice %arg17[%dma_start3A_581, %select_n3A_562, %mul3A_580] : memref<12x8x128xi32, #tpu.memory_space<vmem>> -> memref<1x1x32xi32, #tpu.memory_space<vmem>>
        %dma_start3A_583 = tpu.memref_squeeze %dma_start3A_582 : memref<1x1x32xi32, #tpu.memory_space<vmem>> -> memref<32xi32, #tpu.memory_space<vmem>>
        %dma_start3A_584 = arith.constant 0 : i32
        %dma_start3A_585 = arith.constant 0 : i32
        %dma_start3A_586 = arith.constant 0 : i32
        %dma_start3A_587 = tpu.memref_slice %arg12[%dma_start3A_584, %dma_start3A_585, %dma_start3A_586] : memref<1001x2x128xbf16, #tpu.memory_space<hbm>> -> memref<1001x2x128xbf16, #tpu.memory_space<hbm>>
        tpu.enqueue_indirect_dma source(%dma_start3A_587 : memref<1001x2x128xbf16, #tpu.memory_space<hbm>>) target(%arg24 : memref<32x2x128xbf16, #tpu.memory_space<vmem>>) offsets(%dma_start3A_583 : memref<32xi32, #tpu.memory_space<vmem>>) semaphore(%arg37 : memref<!tpu.dma_semaphore, #tpu.memory_space<semaphore_mem>>)
        %add3A_588 = arith.constant 1 : i32
        %add3A_589 = arith.addi %mul3A_227, %add3A_588 : i32
        %jit3A_590 = arith.constant 4 : i32
        %div3A_591 = arith.divsi %add3A_589, %jit3A_590 : i32
        %sign3A_592 = arith.constant 0 : i32
        %sign3A_593 = arith.cmpi sgt, %add3A_589, %sign3A_592 : i32
        %sign3A_594 = arith.extui %sign3A_593 : i1 to i32
        %sign3A_595 = arith.constant 0 : i32
        %sign3A_596 = arith.cmpi slt, %add3A_589, %sign3A_595 : i32
        %sign3A_597 = arith.extui %sign3A_596 : i1 to i32
        %sign3A_598 = arith.subi %sign3A_594, %sign3A_597 : i32
        %sign3A_599 = arith.constant 0 : i32
        %sign3A_600 = arith.cmpi sgt, %jit3A_590, %sign3A_599 : i32
        %sign3A_601 = arith.extui %sign3A_600 : i1 to i32
        %sign3A_602 = arith.constant 0 : i32
        %sign3A_603 = arith.cmpi slt, %jit3A_590, %sign3A_602 : i32
        %sign3A_604 = arith.extui %sign3A_603 : i1 to i32
        %sign3A_605 = arith.subi %sign3A_601, %sign3A_604 : i32
        %ne3A_606 = arith.cmpi ne, %sign3A_598, %sign3A_605 : i32
        %rem3A_607 = arith.remsi %add3A_589, %jit3A_590 : i32
        %ne3A_608 = arith.constant 0 : i32
        %ne3A_609 = arith.cmpi ne, %rem3A_607, %ne3A_608 : i32
        %and3A_610 = arith.andi %ne3A_606, %ne3A_609 : i1
        %sub3A_611 = arith.constant 1 : i32
        %sub3A_612 = arith.subi %div3A_591, %sub3A_611 : i32
        %select_n3A_613 = arith.select %and3A_610, %sub3A_612, %div3A_591 : i32
        %jit3A_614 = arith.constant 4 : i32
        %eq3A_615 = arith.constant 0 : i32
        %eq3A_616 = arith.cmpi eq, %jit3A_614, %eq3A_615 : i32
        %jit3A_617 = arith.constant 1 : i32
        %select_n3A_618 = arith.select %eq3A_616, %jit3A_617, %jit3A_614 : i32
        %rem3A_619 = arith.remsi %add3A_589, %select_n3A_618 : i32
        %ne3A_620 = arith.constant 0 : i32
        %ne3A_621 = arith.cmpi ne, %rem3A_619, %ne3A_620 : i32
        %lt3A_622 = arith.constant 0 : i32
        %lt3A_623 = arith.cmpi slt, %rem3A_619, %lt3A_622 : i32
        %lt3A_624 = arith.constant 0 : i32
        %lt3A_625 = arith.cmpi slt, %select_n3A_618, %lt3A_624 : i32
        %ne3A_626 = arith.xori %lt3A_623, %lt3A_625 : i1
        %and3A_627 = arith.andi %ne3A_626, %ne3A_621 : i1
        %add3A_628 = arith.addi %rem3A_619, %select_n3A_618 : i32
        %select_n3A_629 = arith.select %and3A_627, %add3A_628, %rem3A_619 : i32
        %mul3A_630 = arith.constant 32 : i32
        %mul3A_631 = arith.muli %select_n3A_629, %mul3A_630 : i32
        %dma_start3A_632 = arith.constant 9 : i32
        %dma_start3A_633 = tpu.memref_slice %arg17[%dma_start3A_632, %select_n3A_613, %mul3A_631] : memref<12x8x128xi32, #tpu.memory_space<vmem>> -> memref<1x1x32xi32, #tpu.memory_space<vmem>>
        %dma_start3A_634 = tpu.memref_squeeze %dma_start3A_633 : memref<1x1x32xi32, #tpu.memory_space<vmem>> -> memref<32xi32, #tpu.memory_space<vmem>>
        %dma_start3A_635 = arith.constant 0 : i32
        %dma_start3A_636 = arith.constant 0 : i32
        %dma_start3A_637 = arith.constant 0 : i32
        %dma_start3A_638 = tpu.memref_slice %arg13[%dma_start3A_635, %dma_start3A_636, %dma_start3A_637] : memref<1001x2x128xbf16, #tpu.memory_space<hbm>> -> memref<1001x2x128xbf16, #tpu.memory_space<hbm>>
        tpu.enqueue_indirect_dma source(%dma_start3A_638 : memref<1001x2x128xbf16, #tpu.memory_space<hbm>>) target(%arg25 : memref<32x2x128xbf16, #tpu.memory_space<vmem>>) offsets(%dma_start3A_634 : memref<32xi32, #tpu.memory_space<vmem>>) semaphore(%arg38 : memref<!tpu.dma_semaphore, #tpu.memory_space<semaphore_mem>>)
      } else {
      }
      %add3A_367 = arith.constant 1 : i32
      %add3A_368 = arith.addi %add3A_367, %mul3A_72 : i32
      %mul3A_369 = arith.constant 32 : i32
      %mul3A_370 = arith.muli %mul3A_227, %mul3A_369 : i32
      %add3A_371 = arith.addi %add3A_368, %mul3A_370 : i32
      %dma_start3A_372 = arith.constant 6 : i32
      %dma_start3A_373 = arith.constant 0 : i32
      %dma_start3A_374 = tpu.memref_slice %arg16[%add3A_371, %select_n3A_40, %dma_start3A_372, %select_n3A_54, %dma_start3A_373] : memref<2049x2x8x8x128xf32, #tpu.memory_space<hbm>> -> memref<32x1x2x1x128xf32, #tpu.memory_space<hbm>>
      %dma_start3A_375 = tpu.memref_squeeze %dma_start3A_374 : memref<32x1x2x1x128xf32, #tpu.memory_space<hbm>> -> memref<32x2x128xf32, #tpu.memory_space<hbm>>
      %dma_start3A_376 = arith.constant 6 : i32
      %dma_start3A_377 = arith.constant 0 : i32
      %dma_start3A_378 = tpu.memref_slice %arg16[%add3A_371, %select_n3A_40, %dma_start3A_376, %select_n3A_54, %dma_start3A_377] : memref<2049x2x8x8x128xf32, #tpu.memory_space<hbm>> -> memref<32x1x2x1x128xf32, #tpu.memory_space<hbm>>
      %dma_start3A_379 = tpu.memref_squeeze %dma_start3A_378 : memref<32x1x2x1x128xf32, #tpu.memory_space<hbm>> -> memref<32x2x128xf32, #tpu.memory_space<hbm>>
      tpu.enqueue_dma source(%arg28 : memref<32x2x128xf32, #tpu.memory_space<vmem>>) target(%dma_start3A_379 : memref<32x2x128xf32, #tpu.memory_space<hbm>>) target_semaphore(%arg41 : memref<!tpu.dma_semaphore, #tpu.memory_space<semaphore_mem>>)
      %mul3A_380 = arith.constant 2 : i32
      %mul3A_381 = arith.muli %mul3A_380, %scan3A_225 : i32
      %add3A_382 = arith.constant 1 : i32
      %add3A_383 = arith.addi %mul3A_381, %add3A_382 : i32
      %dma_wait3A_384 = arith.constant 0 : i32
      %dma_wait3A_385 = arith.constant 0 : i32
      %dma_wait3A_386 = arith.constant 0 : i32
      %dma_wait3A_387 = tpu.memref_slice %arg12[%dma_wait3A_384, %dma_wait3A_385, %dma_wait3A_386] : memref<1001x2x128xbf16, #tpu.memory_space<hbm>> -> memref<32x2x128xbf16, #tpu.memory_space<hbm>>
      %dma_wait3A_388 = arith.constant 0 : i32
      %dma_wait3A_389 = arith.constant 0 : i32
      %dma_wait3A_390 = arith.constant 0 : i32
      %dma_wait3A_391 = tpu.memref_slice %arg12[%dma_wait3A_388, %dma_wait3A_389, %dma_wait3A_390] : memref<1001x2x128xbf16, #tpu.memory_space<hbm>> -> memref<32x2x128xbf16, #tpu.memory_space<hbm>>
      tpu.wait_dma2 semaphore(%arg37 : memref<!tpu.dma_semaphore, #tpu.memory_space<semaphore_mem>>) src(%dma_wait3A_391 : memref<32x2x128xbf16, #tpu.memory_space<hbm>>) dst(%arg24 : memref<32x2x128xbf16, #tpu.memory_space<vmem>>)
      %dma_wait3A_392 = arith.constant 0 : i32
      %dma_wait3A_393 = arith.constant 0 : i32
      %dma_wait3A_394 = arith.constant 0 : i32
      %dma_wait3A_395 = tpu.memref_slice %arg12[%dma_wait3A_392, %dma_wait3A_393, %dma_wait3A_394] : memref<1001x2x128xbf16, #tpu.memory_space<hbm>> -> memref<32x2x128xbf16, #tpu.memory_space<hbm>>
      %dma_wait3A_396 = arith.constant 0 : i32
      %dma_wait3A_397 = arith.constant 0 : i32
      %dma_wait3A_398 = arith.constant 0 : i32
      %dma_wait3A_399 = tpu.memref_slice %arg12[%dma_wait3A_396, %dma_wait3A_397, %dma_wait3A_398] : memref<1001x2x128xbf16, #tpu.memory_space<hbm>> -> memref<32x2x128xbf16, #tpu.memory_space<hbm>>
      tpu.wait_dma2 semaphore(%arg38 : memref<!tpu.dma_semaphore, #tpu.memory_space<semaphore_mem>>) src(%dma_wait3A_399 : memref<32x2x128xbf16, #tpu.memory_space<hbm>>) dst(%arg25 : memref<32x2x128xbf16, #tpu.memory_space<vmem>>)
      %jit3A_400 = arith.constant 4 : i32
      %div3A_401 = arith.divsi %add3A_383, %jit3A_400 : i32
      %sign3A_402 = arith.constant 0 : i32
      %sign3A_403 = arith.cmpi sgt, %add3A_383, %sign3A_402 : i32
      %sign3A_404 = arith.extui %sign3A_403 : i1 to i32
      %sign3A_405 = arith.constant 0 : i32
      %sign3A_406 = arith.cmpi slt, %add3A_383, %sign3A_405 : i32
      %sign3A_407 = arith.extui %sign3A_406 : i1 to i32
      %sign3A_408 = arith.subi %sign3A_404, %sign3A_407 : i32
      %sign3A_409 = arith.constant 0 : i32
      %sign3A_410 = arith.cmpi sgt, %jit3A_400, %sign3A_409 : i32
      %sign3A_411 = arith.extui %sign3A_410 : i1 to i32
      %sign3A_412 = arith.constant 0 : i32
      %sign3A_413 = arith.cmpi slt, %jit3A_400, %sign3A_412 : i32
      %sign3A_414 = arith.extui %sign3A_413 : i1 to i32
      %sign3A_415 = arith.subi %sign3A_411, %sign3A_414 : i32
      %ne3A_416 = arith.cmpi ne, %sign3A_408, %sign3A_415 : i32
      %rem3A_417 = arith.remsi %add3A_383, %jit3A_400 : i32
      %ne3A_418 = arith.constant 0 : i32
      %ne3A_419 = arith.cmpi ne, %rem3A_417, %ne3A_418 : i32
      %and3A_420 = arith.andi %ne3A_416, %ne3A_419 : i1
      %sub3A_421 = arith.constant 1 : i32
      %sub3A_422 = arith.subi %div3A_401, %sub3A_421 : i32
      %select_n3A_423 = arith.select %and3A_420, %sub3A_422, %div3A_401 : i32
      %jit3A_424 = arith.constant 4 : i32
      %eq3A_425 = arith.constant 0 : i32
      %eq3A_426 = arith.cmpi eq, %jit3A_424, %eq3A_425 : i32
      %jit3A_427 = arith.constant 1 : i32
      %select_n3A_428 = arith.select %eq3A_426, %jit3A_427, %jit3A_424 : i32
      %rem3A_429 = arith.remsi %add3A_383, %select_n3A_428 : i32
      %ne3A_430 = arith.constant 0 : i32
      %ne3A_431 = arith.cmpi ne, %rem3A_429, %ne3A_430 : i32
      %lt3A_432 = arith.constant 0 : i32
      %lt3A_433 = arith.cmpi slt, %rem3A_429, %lt3A_432 : i32
      %lt3A_434 = arith.constant 0 : i32
      %lt3A_435 = arith.cmpi slt, %select_n3A_428, %lt3A_434 : i32
      %ne3A_436 = arith.xori %lt3A_433, %lt3A_435 : i1
      %and3A_437 = arith.andi %ne3A_436, %ne3A_431 : i1
      %add3A_438 = arith.addi %rem3A_429, %select_n3A_428 : i32
      %select_n3A_439 = arith.select %and3A_437, %add3A_438, %rem3A_429 : i32
      %mul3A_440 = arith.constant 32 : i32
      %mul3A_441 = arith.muli %select_n3A_439, %mul3A_440 : i32
      %dma_start3A_442 = arith.constant 10 : i32
      %dma_start3A_443 = tpu.memref_slice %arg17[%dma_start3A_442, %select_n3A_423, %mul3A_441] : memref<12x8x128xi32, #tpu.memory_space<vmem>> -> memref<1x1x32xi32, #tpu.memory_space<vmem>>
      %dma_start3A_444 = tpu.memref_squeeze %dma_start3A_443 : memref<1x1x32xi32, #tpu.memory_space<vmem>> -> memref<32xi32, #tpu.memory_space<vmem>>
      %dma_start3A_445 = arith.constant 0 : i32
      %dma_start3A_446 = arith.constant 0 : i32
      %dma_start3A_447 = arith.constant 0 : i32
      %dma_start3A_448 = tpu.memref_slice %arg14[%dma_start3A_445, %dma_start3A_446, %dma_start3A_447] : memref<1001x2x128xbf16, #tpu.memory_space<hbm>> -> memref<1001x2x128xbf16, #tpu.memory_space<hbm>>
      tpu.enqueue_indirect_dma source(%dma_start3A_448 : memref<1001x2x128xbf16, #tpu.memory_space<hbm>>) target(%arg26 : memref<32x2x128xbf16, #tpu.memory_space<vmem>>) offsets(%dma_start3A_444 : memref<32xi32, #tpu.memory_space<vmem>>) semaphore(%arg39 : memref<!tpu.dma_semaphore, #tpu.memory_space<semaphore_mem>>)
      %jit3A_449 = arith.constant 4 : i32
      %div3A_450 = arith.divsi %add3A_383, %jit3A_449 : i32
      %sign3A_451 = arith.constant 0 : i32
      %sign3A_452 = arith.cmpi sgt, %add3A_383, %sign3A_451 : i32
      %sign3A_453 = arith.extui %sign3A_452 : i1 to i32
      %sign3A_454 = arith.constant 0 : i32
      %sign3A_455 = arith.cmpi slt, %add3A_383, %sign3A_454 : i32
      %sign3A_456 = arith.extui %sign3A_455 : i1 to i32
      %sign3A_457 = arith.subi %sign3A_453, %sign3A_456 : i32
      %sign3A_458 = arith.constant 0 : i32
      %sign3A_459 = arith.cmpi sgt, %jit3A_449, %sign3A_458 : i32
      %sign3A_460 = arith.extui %sign3A_459 : i1 to i32
      %sign3A_461 = arith.constant 0 : i32
      %sign3A_462 = arith.cmpi slt, %jit3A_449, %sign3A_461 : i32
      %sign3A_463 = arith.extui %sign3A_462 : i1 to i32
      %sign3A_464 = arith.subi %sign3A_460, %sign3A_463 : i32
      %ne3A_465 = arith.cmpi ne, %sign3A_457, %sign3A_464 : i32
      %rem3A_466 = arith.remsi %add3A_383, %jit3A_449 : i32
      %ne3A_467 = arith.constant 0 : i32
      %ne3A_468 = arith.cmpi ne, %rem3A_466, %ne3A_467 : i32
      %and3A_469 = arith.andi %ne3A_465, %ne3A_468 : i1
      %sub3A_470 = arith.constant 1 : i32
      %sub3A_471 = arith.subi %div3A_450, %sub3A_470 : i32
      %select_n3A_472 = arith.select %and3A_469, %sub3A_471, %div3A_450 : i32
      %jit3A_473 = arith.constant 4 : i32
      %eq3A_474 = arith.constant 0 : i32
      %eq3A_475 = arith.cmpi eq, %jit3A_473, %eq3A_474 : i32
      %jit3A_476 = arith.constant 1 : i32
      %select_n3A_477 = arith.select %eq3A_475, %jit3A_476, %jit3A_473 : i32
      %rem3A_478 = arith.remsi %add3A_383, %select_n3A_477 : i32
      %ne3A_479 = arith.constant 0 : i32
      %ne3A_480 = arith.cmpi ne, %rem3A_478, %ne3A_479 : i32
      %lt3A_481 = arith.constant 0 : i32
      %lt3A_482 = arith.cmpi slt, %rem3A_478, %lt3A_481 : i32
      %lt3A_483 = arith.constant 0 : i32
      %lt3A_484 = arith.cmpi slt, %select_n3A_477, %lt3A_483 : i32
      %ne3A_485 = arith.xori %lt3A_482, %lt3A_484 : i1
      %and3A_486 = arith.andi %ne3A_485, %ne3A_480 : i1
      %add3A_487 = arith.addi %rem3A_478, %select_n3A_477 : i32
      %select_n3A_488 = arith.select %and3A_486, %add3A_487, %rem3A_478 : i32
      %mul3A_489 = arith.constant 32 : i32
      %mul3A_490 = arith.muli %select_n3A_488, %mul3A_489 : i32
      %dma_start3A_491 = arith.constant 11 : i32
      %dma_start3A_492 = tpu.memref_slice %arg17[%dma_start3A_491, %select_n3A_472, %mul3A_490] : memref<12x8x128xi32, #tpu.memory_space<vmem>> -> memref<1x1x32xi32, #tpu.memory_space<vmem>>
      %dma_start3A_493 = tpu.memref_squeeze %dma_start3A_492 : memref<1x1x32xi32, #tpu.memory_space<vmem>> -> memref<32xi32, #tpu.memory_space<vmem>>
      %dma_start3A_494 = arith.constant 0 : i32
      %dma_start3A_495 = arith.constant 0 : i32
      %dma_start3A_496 = arith.constant 0 : i32
      %dma_start3A_497 = tpu.memref_slice %arg15[%dma_start3A_494, %dma_start3A_495, %dma_start3A_496] : memref<1001x2x128xbf16, #tpu.memory_space<hbm>> -> memref<1001x2x128xbf16, #tpu.memory_space<hbm>>
      tpu.enqueue_indirect_dma source(%dma_start3A_497 : memref<1001x2x128xbf16, #tpu.memory_space<hbm>>) target(%arg27 : memref<32x2x128xbf16, #tpu.memory_space<vmem>>) offsets(%dma_start3A_493 : memref<32xi32, #tpu.memory_space<vmem>>) semaphore(%arg40 : memref<!tpu.dma_semaphore, #tpu.memory_space<semaphore_mem>>)
      %ge3A_498 = arith.constant 2 : i32
      %ge3A_499 = arith.cmpi sge, %add3A_383, %ge3A_498 : i32
      %convert_element_type3A_500 = arith.extui %ge3A_499 : i1 to i32
      %cond3A_501 = arith.constant 0 : i32
      %cond3A_502 = arith.cmpi ne, %convert_element_type3A_500, %cond3A_501 : i32
      scf.if %cond3A_502 {
        %add3A_537 = arith.constant 1 : i32
        %add3A_538 = arith.addi %add3A_537, %mul3A_72 : i32
        %add3A_539 = arith.constant 0 : i32
        %add3A_540 = arith.addi %add3A_538, %add3A_539 : i32
        %dma_wait3A_541 = arith.constant 6 : i32
        %dma_wait3A_542 = arith.constant 0 : i32
        %dma_wait3A_543 = tpu.memref_slice %arg16[%add3A_540, %select_n3A_40, %dma_wait3A_541, %select_n3A_54, %dma_wait3A_542] : memref<2049x2x8x8x128xf32, #tpu.memory_space<hbm>> -> memref<32x1x2x1x128xf32, #tpu.memory_space<hbm>>
        %dma_wait3A_544 = tpu.memref_squeeze %dma_wait3A_543 : memref<32x1x2x1x128xf32, #tpu.memory_space<hbm>> -> memref<32x2x128xf32, #tpu.memory_space<hbm>>
        %dma_wait3A_545 = arith.constant 6 : i32
        %dma_wait3A_546 = arith.constant 0 : i32
        %dma_wait3A_547 = tpu.memref_slice %arg16[%add3A_540, %select_n3A_40, %dma_wait3A_545, %select_n3A_54, %dma_wait3A_546] : memref<2049x2x8x8x128xf32, #tpu.memory_space<hbm>> -> memref<32x1x2x1x128xf32, #tpu.memory_space<hbm>>
        %dma_wait3A_548 = tpu.memref_squeeze %dma_wait3A_547 : memref<32x1x2x1x128xf32, #tpu.memory_space<hbm>> -> memref<32x2x128xf32, #tpu.memory_space<hbm>>
        tpu.wait_dma2 semaphore(%arg42 : memref<!tpu.dma_semaphore, #tpu.memory_space<semaphore_mem>>) src(%arg29 : memref<32x2x128xf32, #tpu.memory_space<vmem>>) dst(%dma_wait3A_548 : memref<32x2x128xf32, #tpu.memory_space<hbm>>)
      } else {
      }
      %dma_wait3A_503 = arith.constant 0 : i32
      %dma_wait3A_504 = arith.constant 0 : i32
      %dma_wait3A_505 = arith.constant 0 : i32
      %dma_wait3A_506 = tpu.memref_slice %arg12[%dma_wait3A_503, %dma_wait3A_504, %dma_wait3A_505] : memref<1001x2x128xbf16, #tpu.memory_space<hbm>> -> memref<32x2x128xbf16, #tpu.memory_space<hbm>>
      %dma_wait3A_507 = arith.constant 0 : i32
      %dma_wait3A_508 = arith.constant 0 : i32
      %dma_wait3A_509 = arith.constant 0 : i32
      %dma_wait3A_510 = tpu.memref_slice %arg12[%dma_wait3A_507, %dma_wait3A_508, %dma_wait3A_509] : memref<1001x2x128xbf16, #tpu.memory_space<hbm>> -> memref<32x2x128xbf16, #tpu.memory_space<hbm>>
      tpu.wait_dma2 semaphore(%arg39 : memref<!tpu.dma_semaphore, #tpu.memory_space<semaphore_mem>>) src(%dma_wait3A_510 : memref<32x2x128xbf16, #tpu.memory_space<hbm>>) dst(%arg26 : memref<32x2x128xbf16, #tpu.memory_space<vmem>>)
      %dma_wait3A_511 = arith.constant 0 : i32
      %dma_wait3A_512 = arith.constant 0 : i32
      %dma_wait3A_513 = arith.constant 0 : i32
      %dma_wait3A_514 = tpu.memref_slice %arg12[%dma_wait3A_511, %dma_wait3A_512, %dma_wait3A_513] : memref<1001x2x128xbf16, #tpu.memory_space<hbm>> -> memref<32x2x128xbf16, #tpu.memory_space<hbm>>
      %dma_wait3A_515 = arith.constant 0 : i32
      %dma_wait3A_516 = arith.constant 0 : i32
      %dma_wait3A_517 = arith.constant 0 : i32
      %dma_wait3A_518 = tpu.memref_slice %arg12[%dma_wait3A_515, %dma_wait3A_516, %dma_wait3A_517] : memref<1001x2x128xbf16, #tpu.memory_space<hbm>> -> memref<32x2x128xbf16, #tpu.memory_space<hbm>>
      tpu.wait_dma2 semaphore(%arg40 : memref<!tpu.dma_semaphore, #tpu.memory_space<semaphore_mem>>) src(%dma_wait3A_518 : memref<32x2x128xbf16, #tpu.memory_space<hbm>>) dst(%arg27 : memref<32x2x128xbf16, #tpu.memory_space<vmem>>)
      %lt3A_519 = arith.constant 31 : i32
      %lt3A_520 = arith.cmpi slt, %add3A_383, %lt3A_519 : i32
      %convert_element_type3A_521 = arith.extui %lt3A_520 : i1 to i32
      %cond3A_522 = arith.constant 0 : i32
      %cond3A_523 = arith.cmpi ne, %convert_element_type3A_521, %cond3A_522 : i32
      scf.if %cond3A_523 {
        %add3A_537 = arith.constant 1 : i32
        %add3A_538 = arith.addi %add3A_383, %add3A_537 : i32
        %jit3A_539 = arith.constant 4 : i32
        %div3A_540 = arith.divsi %add3A_538, %jit3A_539 : i32
        %sign3A_541 = arith.constant 0 : i32
        %sign3A_542 = arith.cmpi sgt, %add3A_538, %sign3A_541 : i32
        %sign3A_543 = arith.extui %sign3A_542 : i1 to i32
        %sign3A_544 = arith.constant 0 : i32
        %sign3A_545 = arith.cmpi slt, %add3A_538, %sign3A_544 : i32
        %sign3A_546 = arith.extui %sign3A_545 : i1 to i32
        %sign3A_547 = arith.subi %sign3A_543, %sign3A_546 : i32
        %sign3A_548 = arith.constant 0 : i32
        %sign3A_549 = arith.cmpi sgt, %jit3A_539, %sign3A_548 : i32
        %sign3A_550 = arith.extui %sign3A_549 : i1 to i32
        %sign3A_551 = arith.constant 0 : i32
        %sign3A_552 = arith.cmpi slt, %jit3A_539, %sign3A_551 : i32
        %sign3A_553 = arith.extui %sign3A_552 : i1 to i32
        %sign3A_554 = arith.subi %sign3A_550, %sign3A_553 : i32
        %ne3A_555 = arith.cmpi ne, %sign3A_547, %sign3A_554 : i32
        %rem3A_556 = arith.remsi %add3A_538, %jit3A_539 : i32
        %ne3A_557 = arith.constant 0 : i32
        %ne3A_558 = arith.cmpi ne, %rem3A_556, %ne3A_557 : i32
        %and3A_559 = arith.andi %ne3A_555, %ne3A_558 : i1
        %sub3A_560 = arith.constant 1 : i32
        %sub3A_561 = arith.subi %div3A_540, %sub3A_560 : i32
        %select_n3A_562 = arith.select %and3A_559, %sub3A_561, %div3A_540 : i32
        %jit3A_563 = arith.constant 4 : i32
        %eq3A_564 = arith.constant 0 : i32
        %eq3A_565 = arith.cmpi eq, %jit3A_563, %eq3A_564 : i32
        %jit3A_566 = arith.constant 1 : i32
        %select_n3A_567 = arith.select %eq3A_565, %jit3A_566, %jit3A_563 : i32
        %rem3A_568 = arith.remsi %add3A_538, %select_n3A_567 : i32
        %ne3A_569 = arith.constant 0 : i32
        %ne3A_570 = arith.cmpi ne, %rem3A_568, %ne3A_569 : i32
        %lt3A_571 = arith.constant 0 : i32
        %lt3A_572 = arith.cmpi slt, %rem3A_568, %lt3A_571 : i32
        %lt3A_573 = arith.constant 0 : i32
        %lt3A_574 = arith.cmpi slt, %select_n3A_567, %lt3A_573 : i32
        %ne3A_575 = arith.xori %lt3A_572, %lt3A_574 : i1
        %and3A_576 = arith.andi %ne3A_575, %ne3A_570 : i1
        %add3A_577 = arith.addi %rem3A_568, %select_n3A_567 : i32
        %select_n3A_578 = arith.select %and3A_576, %add3A_577, %rem3A_568 : i32
        %mul3A_579 = arith.constant 32 : i32
        %mul3A_580 = arith.muli %select_n3A_578, %mul3A_579 : i32
        %dma_start3A_581 = arith.constant 8 : i32
        %dma_start3A_582 = tpu.memref_slice %arg17[%dma_start3A_581, %select_n3A_562, %mul3A_580] : memref<12x8x128xi32, #tpu.memory_space<vmem>> -> memref<1x1x32xi32, #tpu.memory_space<vmem>>
        %dma_start3A_583 = tpu.memref_squeeze %dma_start3A_582 : memref<1x1x32xi32, #tpu.memory_space<vmem>> -> memref<32xi32, #tpu.memory_space<vmem>>
        %dma_start3A_584 = arith.constant 0 : i32
        %dma_start3A_585 = arith.constant 0 : i32
        %dma_start3A_586 = arith.constant 0 : i32
        %dma_start3A_587 = tpu.memref_slice %arg12[%dma_start3A_584, %dma_start3A_585, %dma_start3A_586] : memref<1001x2x128xbf16, #tpu.memory_space<hbm>> -> memref<1001x2x128xbf16, #tpu.memory_space<hbm>>
        tpu.enqueue_indirect_dma source(%dma_start3A_587 : memref<1001x2x128xbf16, #tpu.memory_space<hbm>>) target(%arg24 : memref<32x2x128xbf16, #tpu.memory_space<vmem>>) offsets(%dma_start3A_583 : memref<32xi32, #tpu.memory_space<vmem>>) semaphore(%arg37 : memref<!tpu.dma_semaphore, #tpu.memory_space<semaphore_mem>>)
        %add3A_588 = arith.constant 1 : i32
        %add3A_589 = arith.addi %add3A_383, %add3A_588 : i32
        %jit3A_590 = arith.constant 4 : i32
        %div3A_591 = arith.divsi %add3A_589, %jit3A_590 : i32
        %sign3A_592 = arith.constant 0 : i32
        %sign3A_593 = arith.cmpi sgt, %add3A_589, %sign3A_592 : i32
        %sign3A_594 = arith.extui %sign3A_593 : i1 to i32
        %sign3A_595 = arith.constant 0 : i32
        %sign3A_596 = arith.cmpi slt, %add3A_589, %sign3A_595 : i32
        %sign3A_597 = arith.extui %sign3A_596 : i1 to i32
        %sign3A_598 = arith.subi %sign3A_594, %sign3A_597 : i32
        %sign3A_599 = arith.constant 0 : i32
        %sign3A_600 = arith.cmpi sgt, %jit3A_590, %sign3A_599 : i32
        %sign3A_601 = arith.extui %sign3A_600 : i1 to i32
        %sign3A_602 = arith.constant 0 : i32
        %sign3A_603 = arith.cmpi slt, %jit3A_590, %sign3A_602 : i32
        %sign3A_604 = arith.extui %sign3A_603 : i1 to i32
        %sign3A_605 = arith.subi %sign3A_601, %sign3A_604 : i32
        %ne3A_606 = arith.cmpi ne, %sign3A_598, %sign3A_605 : i32
        %rem3A_607 = arith.remsi %add3A_589, %jit3A_590 : i32
        %ne3A_608 = arith.constant 0 : i32
        %ne3A_609 = arith.cmpi ne, %rem3A_607, %ne3A_608 : i32
        %and3A_610 = arith.andi %ne3A_606, %ne3A_609 : i1
        %sub3A_611 = arith.constant 1 : i32
        %sub3A_612 = arith.subi %div3A_591, %sub3A_611 : i32
        %select_n3A_613 = arith.select %and3A_610, %sub3A_612, %div3A_591 : i32
        %jit3A_614 = arith.constant 4 : i32
        %eq3A_615 = arith.constant 0 : i32
        %eq3A_616 = arith.cmpi eq, %jit3A_614, %eq3A_615 : i32
        %jit3A_617 = arith.constant 1 : i32
        %select_n3A_618 = arith.select %eq3A_616, %jit3A_617, %jit3A_614 : i32
        %rem3A_619 = arith.remsi %add3A_589, %select_n3A_618 : i32
        %ne3A_620 = arith.constant 0 : i32
        %ne3A_621 = arith.cmpi ne, %rem3A_619, %ne3A_620 : i32
        %lt3A_622 = arith.constant 0 : i32
        %lt3A_623 = arith.cmpi slt, %rem3A_619, %lt3A_622 : i32
        %lt3A_624 = arith.constant 0 : i32
        %lt3A_625 = arith.cmpi slt, %select_n3A_618, %lt3A_624 : i32
        %ne3A_626 = arith.xori %lt3A_623, %lt3A_625 : i1
        %and3A_627 = arith.andi %ne3A_626, %ne3A_621 : i1
        %add3A_628 = arith.addi %rem3A_619, %select_n3A_618 : i32
        %select_n3A_629 = arith.select %and3A_627, %add3A_628, %rem3A_619 : i32
        %mul3A_630 = arith.constant 32 : i32
        %mul3A_631 = arith.muli %select_n3A_629, %mul3A_630 : i32
        %dma_start3A_632 = arith.constant 9 : i32
        %dma_start3A_633 = tpu.memref_slice %arg17[%dma_start3A_632, %select_n3A_613, %mul3A_631] : memref<12x8x128xi32, #tpu.memory_space<vmem>> -> memref<1x1x32xi32, #tpu.memory_space<vmem>>
        %dma_start3A_634 = tpu.memref_squeeze %dma_start3A_633 : memref<1x1x32xi32, #tpu.memory_space<vmem>> -> memref<32xi32, #tpu.memory_space<vmem>>
        %dma_start3A_635 = arith.constant 0 : i32
        %dma_start3A_636 = arith.constant 0 : i32
        %dma_start3A_637 = arith.constant 0 : i32
        %dma_start3A_638 = tpu.memref_slice %arg13[%dma_start3A_635, %dma_start3A_636, %dma_start3A_637] : memref<1001x2x128xbf16, #tpu.memory_space<hbm>> -> memref<1001x2x128xbf16, #tpu.memory_space<hbm>>
        tpu.enqueue_indirect_dma source(%dma_start3A_638 : memref<1001x2x128xbf16, #tpu.memory_space<hbm>>) target(%arg25 : memref<32x2x128xbf16, #tpu.memory_space<vmem>>) offsets(%dma_start3A_634 : memref<32xi32, #tpu.memory_space<vmem>>) semaphore(%arg38 : memref<!tpu.dma_semaphore, #tpu.memory_space<semaphore_mem>>)
      } else {
      }
      %add3A_524 = arith.constant 1 : i32
      %add3A_525 = arith.addi %add3A_524, %mul3A_72 : i32
      %mul3A_526 = arith.constant 32 : i32
      %mul3A_527 = arith.muli %add3A_383, %mul3A_526 : i32
      %add3A_528 = arith.addi %add3A_525, %mul3A_527 : i32
      %dma_start3A_529 = arith.constant 6 : i32
      %dma_start3A_530 = arith.constant 0 : i32
      %dma_start3A_531 = tpu.memref_slice %arg16[%add3A_528, %select_n3A_40, %dma_start3A_529, %select_n3A_54, %dma_start3A_530] : memref<2049x2x8x8x128xf32, #tpu.memory_space<hbm>> -> memref<32x1x2x1x128xf32, #tpu.memory_space<hbm>>
      %dma_start3A_532 = tpu.memref_squeeze %dma_start3A_531 : memref<32x1x2x1x128xf32, #tpu.memory_space<hbm>> -> memref<32x2x128xf32, #tpu.memory_space<hbm>>
      %dma_start3A_533 = arith.constant 6 : i32
      %dma_start3A_534 = arith.constant 0 : i32
      %dma_start3A_535 = tpu.memref_slice %arg16[%add3A_528, %select_n3A_40, %dma_start3A_533, %select_n3A_54, %dma_start3A_534] : memref<2049x2x8x8x128xf32, #tpu.memory_space<hbm>> -> memref<32x1x2x1x128xf32, #tpu.memory_space<hbm>>
      %dma_start3A_536 = tpu.memref_squeeze %dma_start3A_535 : memref<32x1x2x1x128xf32, #tpu.memory_space<hbm>> -> memref<32x2x128xf32, #tpu.memory_space<hbm>>
      tpu.enqueue_dma source(%arg29 : memref<32x2x128xf32, #tpu.memory_space<vmem>>) target(%dma_start3A_536 : memref<32x2x128xf32, #tpu.memory_space<hbm>>) target_semaphore(%arg42 : memref<!tpu.dma_semaphore, #tpu.memory_space<semaphore_mem>>)
    }
    %scan3A_176 = arith.constant 16 : i32
    %add3A_177 = arith.constant 1 : i32
    %add3A_178 = arith.addi %add3A_177, %mul3A_72 : i32
    %add3A_179 = arith.constant 0 : i32
    %add3A_180 = arith.addi %add3A_178, %add3A_179 : i32
    %dma_wait3A_181 = arith.constant 6 : i32
    %dma_wait3A_182 = arith.constant 0 : i32
    %dma_wait3A_183 = tpu.memref_slice %arg16[%add3A_180, %select_n3A_40, %dma_wait3A_181, %select_n3A_54, %dma_wait3A_182] : memref<2049x2x8x8x128xf32, #tpu.memory_space<hbm>> -> memref<32x1x2x1x128xf32, #tpu.memory_space<hbm>>
    %dma_wait3A_184 = tpu.memref_squeeze %dma_wait3A_183 : memref<32x1x2x1x128xf32, #tpu.memory_space<hbm>> -> memref<32x2x128xf32, #tpu.memory_space<hbm>>
    %dma_wait3A_185 = arith.constant 6 : i32
    %dma_wait3A_186 = arith.constant 0 : i32
    %dma_wait3A_187 = tpu.memref_slice %arg16[%add3A_180, %select_n3A_40, %dma_wait3A_185, %select_n3A_54, %dma_wait3A_186] : memref<2049x2x8x8x128xf32, #tpu.memory_space<hbm>> -> memref<32x1x2x1x128xf32, #tpu.memory_space<hbm>>
    %dma_wait3A_188 = tpu.memref_squeeze %dma_wait3A_187 : memref<32x1x2x1x128xf32, #tpu.memory_space<hbm>> -> memref<32x2x128xf32, #tpu.memory_space<hbm>>
    tpu.wait_dma2 semaphore(%arg41 : memref<!tpu.dma_semaphore, #tpu.memory_space<semaphore_mem>>) src(%arg28 : memref<32x2x128xf32, #tpu.memory_space<vmem>>) dst(%dma_wait3A_188 : memref<32x2x128xf32, #tpu.memory_space<hbm>>)
    %add3A_189 = arith.constant 1 : i32
    %add3A_190 = arith.addi %add3A_189, %mul3A_72 : i32
    %add3A_191 = arith.constant 0 : i32
    %add3A_192 = arith.addi %add3A_190, %add3A_191 : i32
    %dma_wait3A_193 = arith.constant 6 : i32
    %dma_wait3A_194 = arith.constant 0 : i32
    %dma_wait3A_195 = tpu.memref_slice %arg16[%add3A_192, %select_n3A_40, %dma_wait3A_193, %select_n3A_54, %dma_wait3A_194] : memref<2049x2x8x8x128xf32, #tpu.memory_space<hbm>> -> memref<32x1x2x1x128xf32, #tpu.memory_space<hbm>>
    %dma_wait3A_196 = tpu.memref_squeeze %dma_wait3A_195 : memref<32x1x2x1x128xf32, #tpu.memory_space<hbm>> -> memref<32x2x128xf32, #tpu.memory_space<hbm>>
    %dma_wait3A_197 = arith.constant 6 : i32
    %dma_wait3A_198 = arith.constant 0 : i32
    %dma_wait3A_199 = tpu.memref_slice %arg16[%add3A_192, %select_n3A_40, %dma_wait3A_197, %select_n3A_54, %dma_wait3A_198] : memref<2049x2x8x8x128xf32, #tpu.memory_space<hbm>> -> memref<32x1x2x1x128xf32, #tpu.memory_space<hbm>>
    %dma_wait3A_200 = tpu.memref_squeeze %dma_wait3A_199 : memref<32x1x2x1x128xf32, #tpu.memory_space<hbm>> -> memref<32x2x128xf32, #tpu.memory_space<hbm>>
    tpu.wait_dma2 semaphore(%arg42 : memref<!tpu.dma_semaphore, #tpu.memory_space<semaphore_mem>>) src(%arg29 : memref<32x2x128xf32, #tpu.memory_space<vmem>>) dst(%dma_wait3A_200 : memref<32x2x128xf32, #tpu.memory_space<hbm>>)
    %add3A_201 = arith.constant 1 : i32
    %add3A_202 = arith.addi %add3A_201, %mul3A_72 : i32
    %add3A_203 = arith.constant 0 : i32
    %add3A_204 = arith.addi %add3A_202, %add3A_203 : i32
    %dma_wait3A_205 = arith.constant 0 : i32
    %dma_wait3A_206 = arith.constant 0 : i32
    %dma_wait3A_207 = tpu.memref_slice %arg16[%add3A_204, %select_n3A_40, %dma_wait3A_205, %select_n3A_54, %dma_wait3A_206] : memref<2049x2x8x8x128xf32, #tpu.memory_space<hbm>> -> memref<32x1x4x1x128xf32, #tpu.memory_space<hbm>>
    %dma_wait3A_208 = tpu.memref_squeeze %dma_wait3A_207 : memref<32x1x4x1x128xf32, #tpu.memory_space<hbm>> -> memref<32x4x128xf32, #tpu.memory_space<hbm>>
    %dma_wait3A_209 = arith.constant 0 : i32
    %dma_wait3A_210 = arith.constant 0 : i32
    %dma_wait3A_211 = tpu.memref_slice %arg16[%add3A_204, %select_n3A_40, %dma_wait3A_209, %select_n3A_54, %dma_wait3A_210] : memref<2049x2x8x8x128xf32, #tpu.memory_space<hbm>> -> memref<32x1x4x1x128xf32, #tpu.memory_space<hbm>>
    %dma_wait3A_212 = tpu.memref_squeeze %dma_wait3A_211 : memref<32x1x4x1x128xf32, #tpu.memory_space<hbm>> -> memref<32x4x128xf32, #tpu.memory_space<hbm>>
    tpu.wait_dma2 semaphore(%arg35 : memref<!tpu.dma_semaphore, #tpu.memory_space<semaphore_mem>>) src(%arg22 : memref<32x4x128xf32, #tpu.memory_space<vmem>>) dst(%dma_wait3A_212 : memref<32x4x128xf32, #tpu.memory_space<hbm>>)
    %add3A_213 = arith.constant 1 : i32
    %add3A_214 = arith.addi %add3A_213, %mul3A_72 : i32
    %add3A_215 = arith.constant 0 : i32
    %add3A_216 = arith.addi %add3A_214, %add3A_215 : i32
    %dma_wait3A_217 = arith.constant 0 : i32
    %dma_wait3A_218 = arith.constant 0 : i32
    %dma_wait3A_219 = tpu.memref_slice %arg16[%add3A_216, %select_n3A_40, %dma_wait3A_217, %select_n3A_54, %dma_wait3A_218] : memref<2049x2x8x8x128xf32, #tpu.memory_space<hbm>> -> memref<32x1x4x1x128xf32, #tpu.memory_space<hbm>>
    %dma_wait3A_220 = tpu.memref_squeeze %dma_wait3A_219 : memref<32x1x4x1x128xf32, #tpu.memory_space<hbm>> -> memref<32x4x128xf32, #tpu.memory_space<hbm>>
    %dma_wait3A_221 = arith.constant 0 : i32
    %dma_wait3A_222 = arith.constant 0 : i32
    %dma_wait3A_223 = tpu.memref_slice %arg16[%add3A_216, %select_n3A_40, %dma_wait3A_221, %select_n3A_54, %dma_wait3A_222] : memref<2049x2x8x8x128xf32, #tpu.memory_space<hbm>> -> memref<32x1x4x1x128xf32, #tpu.memory_space<hbm>>
    %dma_wait3A_224 = tpu.memref_squeeze %dma_wait3A_223 : memref<32x1x4x1x128xf32, #tpu.memory_space<hbm>> -> memref<32x4x128xf32, #tpu.memory_space<hbm>>
    tpu.wait_dma2 semaphore(%arg36 : memref<!tpu.dma_semaphore, #tpu.memory_space<semaphore_mem>>) src(%arg23 : memref<32x4x128xf32, #tpu.memory_space<vmem>>) dst(%dma_wait3A_224 : memref<32x4x128xf32, #tpu.memory_space<hbm>>)
    return
  }
}

</mosaic_0001>

<sc_bundles>
// kernel: kernel.3.cloned.1.call-start
scs
__scs_entry_jumppad:
0x0: {  	(pc) =	sbr.rel $0x88, $3  }
0x1: {  	(tag) =	ssettag $0x0;
	lr =	simm.s32 $0x1  }
0x2: {  	[smem:$0x3F93] =	sst lr;
	_ =	strace $0xD0000000  }
0x3: {  	_ = 	snop  }
0x4: {  	_ = 	snop  }
0x5: {  	_ = 	snop  }
0x6: {  	_ = 	snop  }
0x7: {  	_ = 	snop  }
__scs_overlays_trampoline_lowered:
0x8: {  	[smem:$0x3FA2] =	sst s0  }
0x9: {  	[smem:$0x3FA3] =	sst s1  }
0xa: {  	[smem:$0x3FA4] =	sst s2  }
0xb: {  	[smem:$0x3FA5] =	sst s3  }
0xc: {  	[smem:$0x3FA6] =	sst s4  }
0xd: {  	[smem:$0x3FA7] =	sst s5  }
0xe: {  	[smem:$0x3FA8] =	sst s6  }
0xf: {  	[smem:$0x3FA9] =	sst s7  }
0x10: {  	[smem:$0x3FAA] =	sst s8  }
0x11: {  	[smem:$0x3FAB] =	sst s9;
	s0 =	simm.s32 @!p0 $0x0  }
0x12: {  	s1 =	sld [smem:$0x3F91];
	s0 =	simm.s32 @p0 $0x1  }
0x13: {  	[smem:$0x3FAC] =	sst s0;
	s0 =	simm.s32 @!p1 $0x0  }
0x14: {  	s2 =	sld [smem:$0x3F90];
	s0 =	simm.s32 @p1 $0x1  }
0x15: {  	[smem:$0x3FAD] =	sst s0;
	s0 =	simm.s32 @!p2 $0x0  }
0x16: {  	s3 =	sld [smem:$0x3FDB];
	s0 =	simm.s32 @p2 $0x1  }
0x17: {  	s4 =	simm.s32 $0x1BF5;
	[smem:$0x3FAF] =	sst s0  }
0x18: {  	s0 =	sld [smem:$0x3F92];
	_ =	swait.ge [sflag:s4], $0x0  }
0x19: {  	s7 =	sld [smem:$0x3F93]  }
0x1a: {  	s8 =	sadd.s32 $0xFFFFE003, lr  }
0x1b: {  	s9 =	sadd.s32 $0xFFFFFEF7, lr;
	s5 =	simm.s32 $0xFFFFFFFF;
	p2 =	slt.u32 s8, $0xFFFFF086  }
0x1c: {  	p1 =	slt.u32 s9, $0xF7A;
	s5 =	simm.s32 @!p2 $0x0  }
0x1d: {  	s5 =	simm.s32 @p1 $0x1;
	p0 =	seq.s32 s7, s2  }
0x1e: {  	s7 =	smul.u32 @!p0 $0xF7A, s2;
	p2 =	seq.s32 @!p0 s5, $0x0  }
0x1f: {  	s9 =	smul.u32 $0xF7A, s1;
	s8 =	simm.s32 @!p0 $0x1BF5;
	p2 =	por !p2, p0  }
0x20: {  	[sflag:s8] =	ssyncset.s32 @!p0 $0xFFFFF086;
	s6 =	sadd.s32 @!p0 s3, s7;
	s7 =	simm.s32 @!p0 $0x108  }
0x21: {  	s3 =	sadd.s32 s3, s9;
	s6 =	sadd.s32 @!p0 $0x88, s6;
	s7 =	simm.s32 @p2 $0x1082  }
0x22: {  	[simem:s7], [sflag:s8] =	dma.local @!p0 [hbm:s6], $0xF7A  }
0x23: {  	s9 =	sor.u32 $0xD0000000, s2;
	s6 =	simm.s32 $0x108;
	_ =	swait.ge @!p0 [sflag:s8], $0x0  }
0x24: {  	s3 =	sadd.s32 $0x88, s3;
	s6 =	simm.s32 @!p1 $0x1082;
	[sflag:s4] =	ssyncset.s32 $0xFFFFF086  }
0x25: {  	[simem:s6], [sflag:s4] =	dma.local [hbm:s3], $0xF7A  }
0x26: {  	[smem:$0x3F93] =	sst s1;
	(tag) =	ssettag s2;
	_ =	strace s9  }
0x27: {  	s1 =	sld [smem:$0x3FA3]  }
0x28: {  	s2 =	sld [smem:$0x3FA4]  }
0x29: {  	s4 =	sld [smem:$0x3FA6]  }
0x2a: {  	p0 =	seq.s32 s5, $0x0;
	s5 =	sld [smem:$0x3FA7]  }
0x2b: {  	s6 =	sld [smem:$0x3FA8]  }
0x2c: {  	s7 =	sld [smem:$0x3FA9]  }
0x2d: {  	s3 =	simm.s32 $0x108;
	s8 =	sld [smem:$0x3FAA]  }
0x2e: {  	s3 =	simm.s32 @!p0 $0x1082;
	s9 =	sld [smem:$0x3FAB]  }
0x2f: {  	lr =	sadd.s32 s0, s3;
	s0 =	sld [smem:$0x3FA2]  }
0x30: {  	s3 =	sld [smem:$0x3FA5]  }
0x31: {  	[smem:$0x3FAE] =	sst s10  }
0x32: {  	s10 =	sld [smem:$0x3FAC];
	_ =	sdelay $0x3  }
0x33: {  	p0 =	seq.s32 s10, $0x1;
	s10 =	sld [smem:$0x3FAE];
	_ =	sdelay $0x3  }
0x34: {  	[smem:$0x3FAE] =	sst s10  }
0x35: {  	s10 =	sld [smem:$0x3FAD];
	_ =	sdelay $0x3  }
0x36: {  	p1 =	seq.s32 s10, $0x1;
	s10 =	sld [smem:$0x3FAE];
	_ =	sdelay $0x3  }
0x37: {  	[smem:$0x3FAE] =	sst s10  }
0x38: {  	s10 =	sld [smem:$0x3FAF]  }
0x39: {  	_ = 	snop;
	(pc) =	sbr.ind lr, $3  }
0x3a: {  	_ = 	snop  }
0x3b: {  	_ = 	snop  }
0x3c: {  	p2 =	seq.s32 s10, $0x1;
	s10 =	sld [smem:$0x3FAE]  }
0x3d: {  	_ =	shalt  }
0x3e: {  	_ =	shalt  }
0x3f: {  	_ =	shalt  }
0x40: {  	_ =	shalt  }
0x41: {  	_ =	shalt  }
0x42: {  	_ =	shalt  }
0x43: {  	_ =	shalt  }
0x44: {  	_ =	shalt  }
0x45: {  	_ =	shalt  }
0x46: {  	_ =	shalt  }
0x47: {  	_ =	shalt  }
0x48: {  	_ =	shalt  }
0x49: {  	_ =	shalt  }
0x4a: {  	_ =	shalt  }
0x4b: {  	_ =	shalt  }
0x4c: {  	_ =	shalt  }
0x4d: {  	_ =	shalt  }
0x4e: {  	_ =	shalt  }
0x4f: {  	_ =	shalt  }
0x50: {  	_ =	shalt  }
0x51: {  	_ =	shalt  }
0x52: {  	_ =	shalt  }
0x53: {  	_ =	shalt  }
0x54: {  	_ =	shalt  }
0x55: {  	_ =	shalt  }
0x56: {  	_ =	shalt  }
0x57: {  	_ =	shalt  }
0x58: {  	_ =	shalt  }
0x59: {  	_ =	shalt  }
0x5a: {  	_ =	shalt  }
0x5b: {  	_ =	shalt  }
0x5c: {  	_ =	shalt  }
0x5d: {  	_ =	shalt  }
0x5e: {  	_ =	shalt  }
0x5f: {  	_ =	shalt  }
0x60: {  	_ =	shalt  }
0x61: {  	_ =	shalt  }
0x62: {  	_ =	shalt  }
0x63: {  	_ =	shalt  }
0x64: {  	_ =	shalt  }
0x65: {  	_ =	shalt  }
0x66: {  	_ =	shalt  }
0x67: {  	_ =	shalt  }
0x68: {  	_ =	shalt  }
0x69: {  	_ =	shalt  }
0x6a: {  	_ =	shalt  }
0x6b: {  	_ =	shalt  }
0x6c: {  	_ =	shalt  }
0x6d: {  	_ =	shalt  }
0x6e: {  	_ =	shalt  }
0x6f: {  	_ =	shalt  }
0x70: {  	_ =	shalt  }
0x71: {  	_ =	shalt  }
0x72: {  	_ =	shalt  }
0x73: {  	_ =	shalt  }
0x74: {  	_ =	shalt  }
0x75: {  	_ =	shalt  }
0x76: {  	_ =	shalt  }
0x77: {  	_ =	shalt  }
0x78: {  	_ =	shalt  }
0x79: {  	_ =	shalt  }
0x7a: {  	_ =	shalt  }
0x7b: {  	_ =	shalt  }
0x7c: {  	_ =	shalt  }
0x7d: {  	_ =	shalt  }
0x7e: {  	_ =	shalt  }
0x7f: {  	_ =	shalt  }
0x80: {  	_ =	shalt  }
0x81: {  	_ =	shalt  }
0x82: {  	_ =	shalt  }
0x83: {  	_ =	shalt  }
0x84: {  	_ =	shalt  }
0x85: {  	_ =	shalt  }
0x86: {  	_ =	shalt  }
0x87: {  	_ =	shalt  }
.Lfunc_end0:
.L_simem_size_0:
called_computation_lowered:
.L_overlay_start_0:
0x88: {  	s2 =	sld [smem:$0x3FD9]  }
0x89: {  	s3 =	sld [smem:$0x3FFE];
	_ =	sdelay $0x1  }
0x8a: {  	s1 =	srdreg.scid  }
0x8b: {  	s0 =	sand.u32 $0x1, s1  }
0x8c: {  	s17 =	sshll.u32 s0, $0xA;
	s2 =	sadd.s32 s3, s2  }
0x8d: {  	s2 =	sadd.s32 s2, s17  }
0x8e: {  	[smem:$0x3FBA] =	sst s2  }
0x8f: {  	_ = 	snop  }
0x90: {  	s2 =	sld [smem:$0x3FC9]  }
0x91: {  	s18 =	sld [smem:$0x3FC8]  }
0x92: {  	s4 =	sld [smem:$0x3FD0];
	(tm) =	ssettm $0x1  }
0x93: {  	s5 =	sld [smem:$0x3FFB];
	_ =	sdelay $0x3  }
0x94: {  	_ =	strace s5  }
0x95: {  	s5 =	sld [smem:$0x3FFC];
	_ =	sdelay $0x3  }
0x96: {  	_ =	strace s5  }
0x97: {  	s5 =	sld [smem:$0x3FFD];
	_ =	sdelay $0x3  }
0x98: {  	_ =	strace s5  }
0x99: {  	_ =	strace $0x8FFFFFFF  }
0x9a: {  	s19 =	sld [smem:$0x3FDB];
	_ =	sdelay $0x1  }
0x9b: {  	s6 =	simm.s32 $_scs_section_size  }
0x9c: {  	s7 =	simm.s32 $_size__tile_overlayer_lowered;
	s8 =	simm.s32 $_tile_overlayer_lowered  }
0x9d: {  	s22 =	simm.s32 $0x1BFF;
	s21 =	sshll.u32 s8, $0x1;
	s5 =	sadd.s32 s6, s19  }
0x9e: {  	s9 =	simm.s32 $0x0;
	s20 =	sshll.u32 s7, $0x1;
	s7 =	sadd.s32 s21, s5  }
0x9f: {  	[timem:s9], [sflag:s22] =	dma.local [hbm:s7], s20  }
0xa0: {  	_ =	swait.ge [sflag:s22], s20  }
0xa1: {  	s6 =	ssub.s32 $0x0, s20;
	[sflag:s22] =	ssyncset.done $0x0  }
0xa2: {  	[sflag:s22] =	ssyncadd.s32 s6;
	_ =	sdelay $0x1  }
0xa3: {  	s23 =	simm.s32 $0x1B8B  }
0xa4: {  	_ =	swait.ge [sflag:s23], $0x1  }
0xa5: {  	[sflag:s23] =	ssyncset.done $0x0  }
0xa6: {  	s25 =	simm.s32 $0x1B8E;
	s24 =	sld [smem:$0x3FFE];
	[sflag:s23] =	ssyncadd.s32 $0xFFFFFFFF  }
0xa7: {  	s26 =	simm.s32 $execute0_lowered;
	[smem:$0x3FD2] =	sst s25  }
0xa8: {  	s7 =	sshll.u32 s26, $0x1;
	_ =	strace $0x80000046;
	[dreg:$0x1] =	wrdreg $0xFFFFFFFF  }
0xa9: {  	s28 =	simm.s32 $_size_execute0_lowered;
	s5 =	sadd.s32 s5, s7;
	[dreg:$0x0] =	wrdreg $0x0  }
0xaa: {  	s7 =	sshll.u32 s28, $0x1;
	[dreg:$0x2] =	wrdreg s5  }
0xab: {  	[dreg:$0x3] =	wrdreg s7  }
0xac: {  	[dreg:$0x4] =	wrdreg $0xC0  }
0xad: {  	_ =	task [dreg:s9], $0x5FFFF  }
0xae: {  	[dreg:$0x1] =	wrdreg $0xFFFFFFFF  }
0xaf: {  	[dreg:$0x0] =	wrdreg $0x60  }
0xb0: {  	[dreg:$0x2] =	wrdreg s2  }
0xb1: {  	[dreg:$0x3] =	wrdreg s18  }
0xb2: {  	[dreg:$0x4] =	wrdreg s24  }
0xb3: {  	[dreg:$0x5] =	wrdreg s4  }
0xb4: {  	[dreg:$0x6] =	wrdreg $0x9  }
0xb5: {  	_ =	task.clear_ibuf [dreg:s9], $0x7FFFF;
	_ =	strace $0x90000046  }
0xb6: {  	s29 =	simm.s32 $0x9;
	_ =	strace $0x80000048  }
0xb7: {  	_ =	swait.ge [sflag:s29], $0x1  }
0xb8: {  	[sflag:s29] =	ssyncadd.s32 $0xFFFFFFFF  }
0xb9: {  	_ =	strace $0x90000048  }
0xba: {  	_ =	sfence  }
0xbb: {  	s30 =	sld [smem:$0x0];
	_ =	sdelay $0x2  }
0xbc: {  	s31 =	sshll.u32 s1, $0xD;
	s1 =	sshrl.u32 s1, $0x2  }
0xbd: {  	s3 =	sand.u32 $0x4000, s31;
	s1 =	sadd.s32 s1, s30  }
0xbe: {  	s0 =	sor.u32 s3, s0;
	s1 =	sshll.u32 s1, $0x11  }
0xbf: {  	s0 =	sor.u32 s1, s0  }
0xc0: {  	s0 =	sadd.s32 $0x8F2B, s0  }
0xc1: {  	[sflag:s0] =	ssyncadd.remote.s32 $0x1  }
0xc2: {  	_ =	sfence.sel $0xFFFF  }
0xc3: {  	[dreg:$0x0] =	wrdreg $0xFFFFFFFF;
	(pc) =	sbr.abs _section_cstart, $3  }
0xc4: {  	[dreg:$0x1] =	wrdreg $0xFFFFFFFF  }
0xc5: {  	_ =	task.clear_ibuf [dreg:s9], $0x2FFFF;
	_ =	strace $0x9FFFFFFF  }
0xc6: {  	(tm) =	ssettm $0x7FFFFFFF  }
0xc7: {  	_ =	shalt  }
tec
execute0_lowered:
.L_overlay_start_1:
0x0: {  	(tag) =	ssettag $0x1  }
0x1: {  	s0 =	srdreg.scid  }
0x2: {  	s4 =	stileid.u32;
	s0 =	sand.u32 $0x1, s0  }
0x3: {  	s1 =	rddreg [dreg:$0x0];
	s2 =	sor.u32 s0, s4  }
0x4: {  	s8 =	rddreg [dreg:$0x2];
	p1 =	seq.s32 s0, $0x1;
	p0 =	seq.s32 s2, $0x0  }
0x5: {  	s11 =	rddreg [dreg:$0x3];
	s5 =	simm.s32 $0x0;
	p0 =	por !p0, !p1  }
0x6: {  	s3 =	simm.s32 $0x1;
	[smem:$0x7FF] =	sst s5;
	p0 =	por !p0, !p0  }
0x7: {  	s15 =	sadd.s32 $0x21A00, s8;
	s6 =	sadd.s32 $0x29800, s8;
	s3 =	simm.s32 @!p0 $0x0  }
0x8: {  	s17 =	sadd.s32 $0x31600, s8;
	s18 =	sadd.s32 $0x39400, s8;
	s3 =	ssub.s32 s4, s3  }
0x9: {  	s9 =	sadd.s32 $0x1A00, s8;
	s10 =	sadd.s32 $0x5A00, s8;
	s16 =	sand.u32 $0xE0, s3  }
0xa: {  	s19 =	sadd.s32 $0x9A00, s8;
	s12 =	sadd.s32 $0xDA00, s8;
	s4 =	sshrl.u32 s16, $0x5  }
0xb: {  	_ =	strace $0x80000047;
	[dreg:$0x5] =	wrdreg s15;
	s4 =	sadd.s32 s4, s3  }
0xc: {  	s13 =	sadd.s32 $0x11A00, s8;
	[dreg:$0x6] =	wrdreg s17;
	s20 =	sand.u32 $0xFFFFFFF8, s4  }
0xd: {  	s14 =	sadd.s32 $0x15A00, s8;
	[dreg:$0x7] =	wrdreg s18;
	s5 =	ssub.s32 s3, s20  }
0xe: {  	[dreg:$0x8] =	wrdreg s19;
	p5 =	slt.s32 s3, $0x1;
	p6 =	sne.s32 s5, $0x0  }
0xf: {  	s15 =	sadd.s32 $0x19A00, s8;
	s21 =	ssub.s32 $0x2, s0;
	p0 =	por !p5, !p6  }
0x10: {  	s24 =	sshll.u32 s0, $0xD;
	s3 =	simm.s32 $0x1;
	p0 =	por !p0, !p0  }
0x11: {  	s25 =	sshll.u32 s0, $0x18;
	s4 =	sshra.s32 s4, $0x3;
	s3 =	simm.s32 @!p0 $0x0  }
0x12: {  	s7 =	sshrl.u32 s21, $0x1;
	s22 =	sshll.u32 s5, $0x7;
	s3 =	ssub.s32 s4, s3  }
0x13: {  	s4 =	sand.u32 $0x380, s22;
	s23 =	sshll.u32 s3, $0xE;
	s3 =	sshll.u32 s3, $0xD  }
0x14: {  	s16 =	sadd.s32 $0x1DA00, s8;
	s5 =	sor.u32 s24, s23;
	s8 =	sor.u32 s4, s3  }
0x15: {  	s2 =	ssub.s32 s21, s7;
	s5 =	sor.u32 s4, s5;
	s8 =	sshrl.u32 s8, $0x3  }
0x16: {  	s4 =	sor.u32 s4, s25;
	s5 =	sshrl.u32 s5, $0x3;
	s26 =	sadd.s32 s11, s8  }
0x17: {  	s29 =	sadd.s32 s4, s3;
	s3 =	smax.u32 s2, $0x1;
	[dreg:$0xa] =	wrdreg s26  }
0x18: {  	s5 =	sadd.s32 s1, s5;
	[dreg:$0xb] =	wrdreg s3  }
0x19: {  	s4 =	sadd.s32 $0x1000, s5;
	[dreg:$0x9] =	wrdreg s5  }
0x1a: {  	s31 =	simm.s32 $0x20;
	s7 =	sadd.s32 $0x2000, s5;
	[dreg:$0xc] =	wrdreg s4  }
0x1b: {  	s21 =	sadd.s32 $0x200, s11;
	s8 =	sadd.s32 $0x3000, s5;
	[dreg:$0xd] =	wrdreg s7  }
0x1c: {  	s22 =	sadd.s32 $0x300, s11;
	s11 =	sadd.s32 $0x4000, s5;
	[dreg:$0xe] =	wrdreg s8  }
0x1d: {  	s28 =	simm.s32 $0x4;
	s18 =	sadd.s32 $0x5000, s5;
	[dreg:$0xf] =	wrdreg s11  }
0x1e: {  	s30 =	simm.s32 $0x8;
	s19 =	sadd.s32 $0x6000, s5;
	[dreg:$0x10] =	wrdreg s18  }
0x1f: {  	s17 =	simm.s32 $0x1;
	s23 =	sadd.s32 $0x7000, s5;
	[dreg:$0x11] =	wrdreg s19  }
0x20: {  	p0 =	sne.s32 s0, $0x0;
	s24 =	sadd.s32 $0x8000, s5;
	[dreg:$0x12] =	wrdreg s23  }
0x21: {  	s0 =	simm.s32 $0x16000;
	s25 =	sadd.s32 $0x9000, s5;
	[dreg:$0x13] =	wrdreg s24  }
0x22: {  	s2 =	simm.s32 $0x15000;
	s26 =	sadd.s32 $0xA000, s5;
	[dreg:$0x14] =	wrdreg s25  }
0x23: {  	s20 =	sadd.s32 $0x4000, s29;
	s29 =	sadd.s32 $0xB000, s5;
	[dreg:$0x15] =	wrdreg s26  }
0x24: {  	s3 =	simm.s32 $0x9;
	s1 =	simm.s32 $0xA;
	[dreg:$0x16] =	wrdreg s29  }
0x25: {  	s23 =	simm.s32 $0x80;
	s24 =	simm.s32 $0x400;
	s25 =	simm.s32 $0x2  }
0x26: {  	s19 =	simm.s32 $0x3;
	s4 =	simm.s32 $0x7;
	s8 =	simm.s32 $0x0  }
.LBB2_1:
0x27: {  	[dreg:$0x17] =	wrdreg s8  }
0x28: {  	s11 =	simm.s32 $0x0;
	s5 =	rddreg [dreg:$0x9]  }
0x29: {  	[tilespmem:s11], [sflag:$0xD] =	stream.strided.gather [hbm4b:s5+s23], $0x400, s24, s23, $0x38;
	[tilespmem:$0x1B400] =	vst v63  }
0x2a: {  	s26 =	rddreg [dreg:$0xc]  }
0x2b: {  	[tilespmem:s24], [sflag:$0xD] =	stream.strided.gather [hbm4b:s26+s23], $0x400, s24, s23, $0x38;
	[tilespmem:$0x1B400] =	vst v63  }
0x2c: {  	s29 =	rddreg [dreg:$0xd];
	s7 =	simm.s32 $0x800  }
0x2d: {  	[tilespmem:s7], [sflag:$0xD] =	stream.strided.gather [hbm4b:s29+s23], $0x400, s24, s23, $0x38;
	[tilespmem:$0x1B400] =	vst v63  }
0x2e: {  	s8 =	rddreg [dreg:$0xe];
	s18 =	simm.s32 $0xC00  }
0x2f: {  	[tilespmem:s18], [sflag:$0xD] =	stream.strided.gather [hbm4b:s8+s23], $0x400, s24, s23, $0x38;
	[tilespmem:$0x1B400] =	vst v63  }
0x30: {  	s26 =	rddreg [dreg:$0xf];
	s29 =	simm.s32 $0x1000  }
0x31: {  	[tilespmem:s29], [sflag:$0xD] =	stream.strided.gather [hbm4b:s26+s23], $0x400, s24, s23, $0x38;
	[tilespmem:$0x1B400] =	vst v63  }
0x32: {  	s8 =	rddreg [dreg:$0x10];
	s18 =	simm.s32 $0x1400  }
0x33: {  	[tilespmem:s18], [sflag:$0xD] =	stream.strided.gather [hbm4b:s8+s23], $0x400, s24, s23, $0x38;
	[tilespmem:$0x1B400] =	vst v63  }
0x34: {  	s26 =	rddreg [dreg:$0x11];
	s29 =	simm.s32 $0x1800  }
0x35: {  	[tilespmem:s29], [sflag:$0xD] =	stream.strided.gather [hbm4b:s26+s23], $0x400, s24, s23, $0x38;
	[tilespmem:$0x1B400] =	vst v63  }
0x36: {  	s8 =	rddreg [dreg:$0x12];
	s18 =	simm.s32 $0x1C00  }
0x37: {  	[tilespmem:s18], [sflag:$0xD] =	stream.strided.gather [hbm4b:s8+s23], $0x400, s24, s23, $0x38;
	[tilespmem:$0x1B400] =	vst v63  }
0x38: {  	s26 =	rddreg [dreg:$0x13];
	s29 =	simm.s32 $0x2000  }
0x39: {  	[tilespmem:s29], [sflag:$0xD] =	stream.strided.gather [hbm4b:s26+s23], $0x400, s24, s23, $0x38;
	[tilespmem:$0x1B400] =	vst v63  }
0x3a: {  	s8 =	rddreg [dreg:$0x14];
	s18 =	simm.s32 $0x2400  }
0x3b: {  	[tilespmem:s18], [sflag:$0xD] =	stream.strided.gather [hbm4b:s8+s23], $0x400, s24, s23, $0x38;
	[tilespmem:$0x1B400] =	vst v63  }
0x3c: {  	s26 =	rddreg [dreg:$0x15];
	s29 =	simm.s32 $0x2800  }
0x3d: {  	[tilespmem:s29], [sflag:$0xD] =	stream.strided.gather [hbm4b:s26+s23], $0x400, s24, s23, $0x38;
	[tilespmem:$0x1B400] =	vst v63  }
0x3e: {  	s7 =	rddreg [dreg:$0x16];
	s8 =	simm.s32 $0x2C00;
	s18 =	simm.s32 $0xD  }
0x3f: {  	[tilespmem:s8], [sflag:$0xD] =	stream.strided.gather [hbm4b:s7+s23], $0x400, s24, s23, $0x38;
	[tilespmem:$0x1B400] =	vst v63  }
0x40: {  	_ =	swait.ge [sflag:s18], $0x3000  }
0x41: {  	[sflag:s18] =	ssyncset.done $0x0  }
0x42: {  	[sflag:s18] =	ssyncadd.s32 $0xFFFFD000  }
0x43: {  	s29 =	simm.s32 $0x1B000;
	s26 =	rddreg [dreg:$0x1]  }
0x44: {  	[tilespmem:s29], [sflag:$0xD] =	stream.linear.gather [hbm4b:s26+s11], $0x400, $0x38;
	[tilespmem:$0x1B400] =	vst v63  }
0x45: {  	_ =	swait.ge [sflag:s18], $0x400  }
0x46: {  	s5 =	simm.s32 @!p0 $0x80;
	s7 =	simm.s32 @!p0 $0x400;
	[sflag:s18] =	ssyncset.done $0x0  }
0x47: {  	s8 =	simm.s32 @!p0 $0x1B000;
	[sflag:s18] =	ssyncadd.s32 $0xFFFFFC00;
	s18 =	rddreg [dreg:$0xa]  }
0x48: {  	[hbm4b:s18+s5] =	stream.strided.scatter @!p0 [tilespmem:s8], [sflag:$0xD], $0x400, s7, s5, $0x38;
	[tilespmem:$0x1B400] =	vst v63  }
0x49: {  	s5 =	simm.s32 @!p0 $0xD  }
0x4a: {  	_ =	swait.ge @!p0 [sflag:s5], $0x400  }
0x4b: {  	[sflag:s5] =	ssyncset.done @!p0 $0x0  }
0x4c: {  	s26 =	simm.s32 $0x3000;
	s18 =	rddreg [dreg:$0x5];
	[sflag:s5] =	ssyncadd.s32 @!p0 $0xFFFFFC00  }
0x4d: {  	[tilespmem:s26], [sflag:$0x1] =	stream.indirect.gather [hbm4b:s18+s31], $0x100, s11, s31, $0xb8;
	[tilespmem:$0x1B400] =	vst v63  }
0x4e: {  	s29 =	simm.s32 $0x5000;
	s26 =	simm.s32 $0x0  }
0x4f: {  	[tilespmem:s29], [sflag:$0x2] =	stream.indirect.gather [hbm4b:s6+s31], $0x100, s24, s31, $0xb8;
	[tilespmem:$0x1B400] =	vst v63  }
.LBB2_2:
0x50: {  	_ =	swait.ge [sflag:s17], $0x2000  }
0x51: {  	[sflag:s17] =	ssyncset.done $0x0  }
0x52: {  	[sflag:s17] =	ssyncadd.s32 $0xFFFFE000  }
0x53: {  	s5 =	sshll.u32 s26, $0x6;
	s11 =	simm.s32 $0x7000;
	_ =	swait.ge [sflag:s25], $0x2000  }
0x54: {  	s18 =	simm.s32 $0x9000;
	p1 =	seq.s32 s26, $0x0;
	[sflag:s25] =	ssyncset.done $0x0  }
0x55: {  	s7 =	sadd.s32 $0x800, s5;
	s8 =	rddreg [dreg:$0x6];
	[sflag:s25] =	ssyncadd.s32 $0xFFFFE000  }
0x56: {  	[tilespmem:s11], [sflag:$0x3] =	stream.indirect.gather [hbm4b:s8+s31], $0x100, s7, s31, $0xb8;
	[tilespmem:$0x1B400] =	vst v63  }
0x57: {  	s8 =	sadd.s32 $0xC00, s5;
	s11 =	rddreg [dreg:$0x7];
	s7 =	simm.s32 @!p1 $0x5  }
0x58: {  	[tilespmem:s18], [sflag:$0x4] =	stream.indirect.gather [hbm4b:s11+s31], $0x100, s8, s31, $0xb8;
	[tilespmem:$0x1B400] =	vst v63  }
0x59: {  	_ =	swait.ge @!p1 [sflag:s7], $0x4000  }
0x5a: {  	[sflag:s7] =	ssyncset.done @!p1 $0x0  }
0x5b: {  	[sflag:s7] =	ssyncadd.s32 @!p1 $0xFFFFC000  }
0x5c: {  	_ =	swait.ge [sflag:s19], $0x2000  }
0x5d: {  	[sflag:s19] =	ssyncset.done $0x0  }
0x5e: {  	[sflag:s19] =	ssyncadd.s32 $0xFFFFE000  }
0x5f: {  	s29 =	sand.u32 $0x380, s5;
	s8 =	sand.u32 $0x40, s5;
	_ =	swait.ge [sflag:s28], $0x2000  }
0x60: {  	s18 =	simm.s32 $0x3000;
	s5 =	sadd.s32 s8, s29;
	[sflag:s28] =	ssyncset.done $0x0  }
0x61: {  	s7 =	sadd.s32 $0x20, s5;
	s11 =	rddreg [dreg:$0x5];
	[sflag:s28] =	ssyncadd.s32 $0xFFFFE000  }
0x62: {  	[tilespmem:s18], [sflag:$0x1] =	stream.indirect.gather [hbm4b:s11+s31], $0x100, s7, s31, $0xb8;
	[tilespmem:$0x1B400] =	vst v63  }
0x63: {  	s8 =	sshll.u32 s26, $0x14;
	s5 =	sadd.s32 $0x420, s5;
	s18 =	simm.s32 $0x5000  }
0x64: {  	[tilespmem:s18], [sflag:$0x2] =	stream.indirect.gather [hbm4b:s6+s31], $0x100, s5, s31, $0xb8;
	[tilespmem:$0x1B400] =	vst v63  }
0x65: {  	s5 =	sadd.s32 s8, s20  }
0x66: {  	s11 =	rddreg [dreg:$0x3];
	s5 =	sshrl.u32 s5, $0x3  }
0x67: {  	s18 =	sshll.u32 s26, $0x1;
	s7 =	sadd.s32 s11, s5  }
0x68: {  	s8 =	simm.s32 $0x800;
	s5 =	simm.s32 $0xB000;
	s11 =	sadd.s32 $0x0, s7  }
.LBB2_3:
0x69: {  	[hbm4b:s11+s23] =	stream.strided.scatter [tilespmem:s5], [sflag:$0x5], $0x200, s24, s23, $0x38;
	[tilespmem:$0x1B400] =	vst v63  }
0x6a: {  	s11 =	smov.u32 s8;
	p2 =	sne.s32 s8, $0xF800  }
.Ltmp0:
0x6b: {  	s8 =	sadd.s32 $0x800, s8;
	(pc) =	sbr.rel @p2 .LBB2_3-.Ltmp0, $3  }
0x6c: {  	_ =	sdelay $0x1  }
0x6d: {  	s5 =	sshra.s32 s11, $0x2  }
0x6e: {  	s11 =	sadd.s32 s11, s7;
	s5 =	sadd.s32 $0xB000, s5  }
0x6f: {  	[hbm4b:s11+s23] =	stream.strided.scatter [tilespmem:s5], [sflag:$0x5], $0x200, s24, s23, $0x38;
	[tilespmem:$0x1B400] =	vst v63  }
0x70: {  	_ =	swait.ge [sflag:s17], $0x2000  }
0x71: {  	s5 =	sor.u32 $0x1, s18;
	[sflag:s17] =	ssyncset.done $0x0  }
0x72: {  	s7 =	sshll.u32 s5, $0x5;
	[sflag:s17] =	ssyncadd.s32 $0xFFFFE000  }
0x73: {  	s7 =	sand.u32 $0x60, s7;
	_ =	swait.ge [sflag:s25], $0x2000  }
0x74: {  	s7 =	sadd.s32 s7, s29;
	s29 =	simm.s32 $0x7000;
	[sflag:s25] =	ssyncset.done $0x0  }
0x75: {  	s8 =	sor.u32 $0x800, s7;
	s18 =	rddreg [dreg:$0x6];
	[sflag:s25] =	ssyncadd.s32 $0xFFFFE000  }
0x76: {  	[tilespmem:s29], [sflag:$0x3] =	stream.indirect.gather [hbm4b:s18+s31], $0x100, s8, s31, $0xb8;
	[tilespmem:$0x1B400] =	vst v63  }
0x77: {  	s7 =	sadd.s32 $0xC00, s7;
	s11 =	rddreg [dreg:$0x7];
	s18 =	simm.s32 $0x9000  }
0x78: {  	[tilespmem:s18], [sflag:$0x4] =	stream.indirect.gather [hbm4b:s11+s31], $0x100, s7, s31, $0xb8;
	[tilespmem:$0x1B400] =	vst v63  }
0x79: {  	s7 =	simm.s32 @!p1 $0x6  }
0x7a: {  	_ =	swait.ge @!p1 [sflag:s7], $0x4000  }
0x7b: {  	[sflag:s7] =	ssyncset.done @!p1 $0x0  }
0x7c: {  	[sflag:s7] =	ssyncadd.s32 @!p1 $0xFFFFC000  }
0x7d: {  	_ =	swait.ge [sflag:s19], $0x2000  }
0x7e: {  	p1 =	sgt.u32 s5, $0x1E;
	s5 =	sshll.u32 s5, $0x13;
	[sflag:s19] =	ssyncset.done $0x0  }
0x7f: {  	s7 =	sshll.u32 @!p1 s26, $0x6;
	s11 =	simm.s32 @!p1 $0x20;
	[sflag:s19] =	ssyncadd.s32 $0xFFFFE000  }
0x80: {  	s18 =	simm.s32 @!p1 $0x3000;
	s5 =	sadd.s32 s5, s20;
	_ =	swait.ge [sflag:s28], $0x2000  }
0x81: {  	s7 =	sand.u32 @!p1 $0x3FFFFFC0, s7;
	s5 =	sshrl.u32 s5, $0x3;
	[sflag:s28] =	ssyncset.done $0x0  }
0x82: {  	s8 =	sadd.s32 @!p1 $0x40, s7;
	s29 =	rddreg [dreg:$0x5];
	[sflag:s28] =	ssyncadd.s32 $0xFFFFE000  }
0x83: {  	[tilespmem:s18], [sflag:$0x1] =	stream.indirect.gather @!p1 [hbm4b:s29+s11], $0x100, s8, s11, $0xb8;
	[tilespmem:$0x1B400] =	vst v63  }
0x84: {  	s7 =	sadd.s32 @!p1 $0x440, s7;
	s8 =	simm.s32 @!p1 $0x5000;
	s29 =	rddreg [dreg:$0x3]  }
0x85: {  	[tilespmem:s8], [sflag:$0x2] =	stream.indirect.gather @!p1 [hbm4b:s6+s11], $0x100, s7, s11, $0xb8;
	[tilespmem:$0x1B400] =	vst v63  }
0x86: {  	s7 =	sadd.s32 s29, s5  }
0x87: {  	s8 =	simm.s32 $0x800;
	s5 =	simm.s32 $0xF000;
	s11 =	sadd.s32 $0x0, s7  }
.LBB2_5:
0x88: {  	[hbm4b:s11+s23] =	stream.strided.scatter [tilespmem:s5], [sflag:$0x6], $0x200, s24, s23, $0x38;
	[tilespmem:$0x1B400] =	vst v63  }
0x89: {  	s11 =	smov.u32 s8;
	p1 =	sne.s32 s8, $0xF800  }
.Ltmp1:
0x8a: {  	s8 =	sadd.s32 $0x800, s8;
	(pc) =	sbr.rel @p1 .LBB2_5-.Ltmp1, $3  }
0x8b: {  	_ =	sdelay $0x1  }
0x8c: {  	s5 =	sshra.s32 s11, $0x2  }
0x8d: {  	s11 =	sadd.s32 s11, s7;
	s5 =	sadd.s32 $0xF000, s5  }
0x8e: {  	s26 =	sadd.s32 $0x1, s26  }
0x8f: {  	p1 =	sne.s32 s26, $0x10  }
.Ltmp2:
0x90: {  	_ = 	snop;
	(pc) =	sbr.rel @p1 .LBB2_2-.Ltmp2, $2  }
0x91: {  	_ =	sdelay $0x2  }
0x92: {  	[hbm4b:s11+s23] =	stream.strided.scatter [tilespmem:s5], [sflag:$0x6], $0x200, s24, s23, $0x38;
	[tilespmem:$0x1B400] =	vst v63  }
0x93: {  	s5 =	simm.s32 $0x1000;
	s7 =	simm.s32 $0x13000  }
0x94: {  	[tilespmem:s7], [sflag:$0x7] =	stream.indirect.gather [hbm4b:s9+s31], $0x80, s5, s31, $0xb8;
	[tilespmem:$0x1B400] =	vst v63  }
0x95: {  	s26 =	simm.s32 $0x1400;
	s29 =	simm.s32 $0x14000  }
0x96: {  	[tilespmem:s29], [sflag:$0x8] =	stream.indirect.gather [hbm4b:s10+s31], $0x80, s26, s31, $0xb8;
	[tilespmem:$0x1B400] =	vst v63  }
0x97: {  	s26 =	simm.s32 $0x0  }
.LBB2_8:
0x98: {  	_ =	swait.ge [sflag:s4], $0x1000  }
0x99: {  	[sflag:s4] =	ssyncset.done $0x0  }
0x9a: {  	[sflag:s4] =	ssyncadd.s32 $0xFFFFF000  }
0x9b: {  	_ =	swait.ge [sflag:s30], $0x1000  }
0x9c: {  	s5 =	sshll.u32 s26, $0x6;
	p1 =	seq.s32 s26, $0x0;
	[sflag:s30] =	ssyncset.done $0x0  }
0x9d: {  	s7 =	sadd.s32 $0x1800, s5;
	s8 =	rddreg [dreg:$0x8];
	[sflag:s30] =	ssyncadd.s32 $0xFFFFF000  }
0x9e: {  	[tilespmem:s2], [sflag:$0x9] =	stream.indirect.gather [hbm4b:s8+s31], $0x80, s7, s31, $0xb8;
	[tilespmem:$0x1B400] =	vst v63  }
0x9f: {  	s8 =	sadd.s32 $0x1C00, s5;
	s7 =	simm.s32 @!p1 $0xB  }
0xa0: {  	[tilespmem:s0], [sflag:$0xA] =	stream.indirect.gather [hbm4b:s12+s31], $0x80, s8, s31, $0xb8;
	[tilespmem:$0x1B400] =	vst v63  }
0xa1: {  	_ =	swait.ge @!p1 [sflag:s7], $0x2000  }
0xa2: {  	[sflag:s7] =	ssyncset.done @!p1 $0x0  }
0xa3: {  	[sflag:s7] =	ssyncadd.s32 @!p1 $0xFFFFE000  }
0xa4: {  	_ =	swait.ge [sflag:s3], $0x1000  }
0xa5: {  	[sflag:s3] =	ssyncset.done $0x0  }
0xa6: {  	[sflag:s3] =	ssyncadd.s32 $0xFFFFF000  }
0xa7: {  	s11 =	sand.u32 $0x40, s5;
	s29 =	sand.u32 $0x380, s5;
	_ =	swait.ge [sflag:s1], $0x1000  }
0xa8: {  	s5 =	sadd.s32 s11, s29;
	[sflag:s1] =	ssyncset.done $0x0  }
0xa9: {  	s18 =	simm.s32 $0x13000;
	s7 =	sadd.s32 $0x1020, s5;
	[sflag:s1] =	ssyncadd.s32 $0xFFFFF000  }
0xaa: {  	[tilespmem:s18], [sflag:$0x7] =	stream.indirect.gather [hbm4b:s9+s31], $0x80, s7, s31, $0xb8;
	[tilespmem:$0x1B400] =	vst v63  }
0xab: {  	s11 =	sshll.u32 s26, $0x14;
	s8 =	simm.s32 $0x14000;
	s5 =	sadd.s32 $0x1420, s5  }
0xac: {  	[tilespmem:s8], [sflag:$0x8] =	stream.indirect.gather [hbm4b:s10+s31], $0x80, s5, s31, $0xb8;
	[tilespmem:$0x1B400] =	vst v63  }
0xad: {  	s5 =	sadd.s32 s11, s20  }
0xae: {  	s5 =	sshrl.u32 s5, $0x3  }
0xaf: {  	s18 =	simm.s32 $0x17000;
	s7 =	sadd.s32 s5, s21  }
0xb0: {  	[hbm4b:s7+s23] =	stream.strided.scatter [tilespmem:s18], [sflag:$0xB], $0x100, s24, s23, $0x38;
	[tilespmem:$0x1B400] =	vst v63  }
0xb1: {  	s8 =	sshll.u32 s26, $0x1;
	s18 =	simm.s32 $0x400  }
.LBB2_9:
0xb2: {  	p2 =	sne.s32 s18, $0x7C00  }
.Ltmp3:
0xb3: {  	_ = 	snop;
	(pc) =	sbr.rel @p2 .LBB2_9-.Ltmp3, $4  }
0xb4: {  	_ = 	snop  }
0xb5: {  	s5 =	sshra.s32 s18, $0x2;
	s18 =	sadd.s32 $0x400, s18  }
0xb6: {  	s7 =	sadd.s32 $0x800, s7;
	s5 =	sadd.s32 $0x17000, s5  }
0xb7: {  	[hbm4b:s7+s23] =	stream.strided.scatter [tilespmem:s5], [sflag:$0xB], $0x100, s24, s23, $0x38;
	[tilespmem:$0x1B400] =	vst v63  }
0xb8: {  	_ =	swait.ge [sflag:s4], $0x1000  }
0xb9: {  	s5 =	sor.u32 $0x1, s8;
	[sflag:s4] =	ssyncset.done $0x0  }
0xba: {  	s7 =	sshll.u32 s5, $0x5;
	[sflag:s4] =	ssyncadd.s32 $0xFFFFF000  }
0xbb: {  	s7 =	sand.u32 $0x60, s7;
	_ =	swait.ge [sflag:s30], $0x1000  }
0xbc: {  	s7 =	sadd.s32 s7, s29;
	[sflag:s30] =	ssyncset.done $0x0  }
0xbd: {  	s18 =	sor.u32 $0x1800, s7;
	s11 =	rddreg [dreg:$0x8];
	[sflag:s30] =	ssyncadd.s32 $0xFFFFF000  }
0xbe: {  	[tilespmem:s2], [sflag:$0x9] =	stream.indirect.gather [hbm4b:s11+s31], $0x80, s18, s31, $0xb8;
	[tilespmem:$0x1B400] =	vst v63  }
0xbf: {  	s7 =	sadd.s32 $0x1C00, s7  }
0xc0: {  	[tilespmem:s0], [sflag:$0xA] =	stream.indirect.gather [hbm4b:s12+s31], $0x80, s7, s31, $0xb8;
	[tilespmem:$0x1B400] =	vst v63  }
0xc1: {  	s7 =	simm.s32 @!p1 $0xC  }
0xc2: {  	_ =	swait.ge @!p1 [sflag:s7], $0x2000  }
0xc3: {  	[sflag:s7] =	ssyncset.done @!p1 $0x0  }
0xc4: {  	[sflag:s7] =	ssyncadd.s32 @!p1 $0xFFFFE000  }
0xc5: {  	_ =	swait.ge [sflag:s3], $0x1000  }
0xc6: {  	[sflag:s3] =	ssyncset.done $0x0  }
0xc7: {  	p1 =	sgt.u32 s5, $0x1E;
	s5 =	sshll.u32 s5, $0x13;
	[sflag:s3] =	ssyncadd.s32 $0xFFFFF000  }
0xc8: {  	s7 =	sshll.u32 @!p1 s26, $0x6;
	s11 =	simm.s32 @!p1 $0x20;
	_ =	swait.ge [sflag:s1], $0x1000  }
0xc9: {  	s18 =	simm.s32 @!p1 $0x13000;
	s7 =	sand.u32 @!p1 $0x3FFFFFC0, s7;
	[sflag:s1] =	ssyncset.done $0x0  }
0xca: {  	s5 =	sadd.s32 s5, s20;
	s8 =	sadd.s32 @!p1 $0x1040, s7;
	[sflag:s1] =	ssyncadd.s32 $0xFFFFF000  }
0xcb: {  	[tilespmem:s18], [sflag:$0x7] =	stream.indirect.gather @!p1 [hbm4b:s9+s11], $0x80, s8, s11, $0xb8;
	[tilespmem:$0x1B400] =	vst v63  }
0xcc: {  	s5 =	sshrl.u32 s5, $0x3;
	s7 =	sadd.s32 @!p1 $0x1440, s7;
	s8 =	simm.s32 @!p1 $0x14000  }
0xcd: {  	[tilespmem:s8], [sflag:$0x8] =	stream.indirect.gather @!p1 [hbm4b:s10+s11], $0x80, s7, s11, $0xb8;
	[tilespmem:$0x1B400] =	vst v63  }
0xce: {  	s29 =	simm.s32 $0x19000;
	s7 =	sadd.s32 s5, s21;
	s8 =	simm.s32 $0x400  }
0xcf: {  	[hbm4b:s7+s23] =	stream.strided.scatter [tilespmem:s29], [sflag:$0xC], $0x100, s24, s23, $0x38;
	[tilespmem:$0x1B400] =	vst v63  }
.LBB2_11:
0xd0: {  	p1 =	sne.s32 s8, $0x7C00  }
.Ltmp4:
0xd1: {  	_ = 	snop;
	(pc) =	sbr.rel @p1 .LBB2_11-.Ltmp4, $4  }
0xd2: {  	_ = 	snop  }
0xd3: {  	s5 =	sshra.s32 s8, $0x2;
	s8 =	sadd.s32 $0x400, s8  }
0xd4: {  	s7 =	sadd.s32 $0x800, s7;
	s5 =	sadd.s32 $0x19000, s5  }
0xd5: {  	[hbm4b:s7+s23] =	stream.strided.scatter [tilespmem:s5], [sflag:$0xC], $0x100, s24, s23, $0x38;
	[tilespmem:$0x1B400] =	vst v63  }
0xd6: {  	s26 =	sadd.s32 $0x1, s26  }
0xd7: {  	p1 =	sne.s32 s26, $0x10  }
.Ltmp5:
0xd8: {  	_ = 	snop;
	(pc) =	sbr.rel @p1 .LBB2_8-.Ltmp5, $1  }
0xd9: {  	_ =	sdelay $0x3  }
0xda: {  	s5 =	simm.s32 $0xB  }
0xdb: {  	_ =	swait.ge [sflag:s5], $0x2000  }
0xdc: {  	[sflag:s5] =	ssyncset.done $0x0  }
0xdd: {  	s11 =	simm.s32 $0xC;
	[sflag:s5] =	ssyncadd.s32 $0xFFFFE000  }
0xde: {  	_ =	swait.ge [sflag:s11], $0x2000  }
0xdf: {  	[sflag:s11] =	ssyncset.done $0x0  }
0xe0: {  	s18 =	simm.s32 $0x2000;
	s7 =	simm.s32 $0x13000;
	[sflag:s11] =	ssyncadd.s32 $0xFFFFE000  }
0xe1: {  	[tilespmem:s7], [sflag:$0x7] =	stream.indirect.gather [hbm4b:s13+s31], $0x80, s18, s31, $0xb8;
	[tilespmem:$0x1B400] =	vst v63  }
0xe2: {  	s26 =	simm.s32 $0x2400;
	s29 =	simm.s32 $0x14000  }
0xe3: {  	[tilespmem:s29], [sflag:$0x8] =	stream.indirect.gather [hbm4b:s14+s31], $0x80, s26, s31, $0xb8;
	[tilespmem:$0x1B400] =	vst v63  }
0xe4: {  	s26 =	simm.s32 $0x0  }
.LBB2_14:
0xe5: {  	_ =	swait.ge [sflag:s4], $0x1000  }
0xe6: {  	[sflag:s4] =	ssyncset.done $0x0  }
0xe7: {  	[sflag:s4] =	ssyncadd.s32 $0xFFFFF000  }
0xe8: {  	_ =	swait.ge [sflag:s30], $0x1000  }
0xe9: {  	s5 =	sshll.u32 s26, $0x6;
	[sflag:s30] =	ssyncset.done $0x0  }
0xea: {  	p1 =	seq.s32 s26, $0x0;
	s7 =	sadd.s32 $0x2800, s5;
	[sflag:s30] =	ssyncadd.s32 $0xFFFFF000  }
0xeb: {  	[tilespmem:s2], [sflag:$0x9] =	stream.indirect.gather [hbm4b:s15+s31], $0x80, s7, s31, $0xb8;
	[tilespmem:$0x1B400] =	vst v63  }
0xec: {  	s11 =	sadd.s32 $0x2C00, s5;
	s7 =	simm.s32 @!p1 $0xB  }
0xed: {  	[tilespmem:s0], [sflag:$0xA] =	stream.indirect.gather [hbm4b:s16+s31], $0x80, s11, s31, $0xb8;
	[tilespmem:$0x1B400] =	vst v63  }
0xee: {  	_ =	swait.ge @!p1 [sflag:s7], $0x2000  }
0xef: {  	[sflag:s7] =	ssyncset.done @!p1 $0x0  }
0xf0: {  	[sflag:s7] =	ssyncadd.s32 @!p1 $0xFFFFE000  }
0xf1: {  	_ =	swait.ge [sflag:s3], $0x1000  }
0xf2: {  	[sflag:s3] =	ssyncset.done $0x0  }
0xf3: {  	[sflag:s3] =	ssyncadd.s32 $0xFFFFF000  }
0xf4: {  	s18 =	sand.u32 $0x40, s5;
	s29 =	sand.u32 $0x380, s5;
	_ =	swait.ge [sflag:s1], $0x1000  }
0xf5: {  	s5 =	sadd.s32 s18, s29;
	[sflag:s1] =	ssyncset.done $0x0  }
0xf6: {  	s8 =	simm.s32 $0x13000;
	s7 =	sadd.s32 $0x2020, s5;
	[sflag:s1] =	ssyncadd.s32 $0xFFFFF000  }
0xf7: {  	[tilespmem:s8], [sflag:$0x7] =	stream.indirect.gather [hbm4b:s13+s31], $0x80, s7, s31, $0xb8;
	[tilespmem:$0x1B400] =	vst v63  }
0xf8: {  	s11 =	sshll.u32 s26, $0x14;
	s5 =	sadd.s32 $0x2420, s5;
	s8 =	simm.s32 $0x14000  }
0xf9: {  	[tilespmem:s8], [sflag:$0x8] =	stream.indirect.gather [hbm4b:s14+s31], $0x80, s5, s31, $0xb8;
	[tilespmem:$0x1B400] =	vst v63  }
0xfa: {  	s5 =	sadd.s32 s11, s20  }
0xfb: {  	s5 =	sshrl.u32 s5, $0x3  }
0xfc: {  	s18 =	simm.s32 $0x17000;
	s7 =	sadd.s32 s5, s22  }
0xfd: {  	[hbm4b:s7+s23] =	stream.strided.scatter [tilespmem:s18], [sflag:$0xB], $0x100, s24, s23, $0x38;
	[tilespmem:$0x1B400] =	vst v63  }
0xfe: {  	s8 =	sshll.u32 s26, $0x1;
	s18 =	simm.s32 $0x400  }
.LBB2_15:
0xff: {  	p2 =	sne.s32 s18, $0x7C00  }
.Ltmp6:
0x100: {  	_ = 	snop;
	(pc) =	sbr.rel @p2 .LBB2_15-.Ltmp6, $4  }
0x101: {  	_ = 	snop  }
0x102: {  	s5 =	sshra.s32 s18, $0x2;
	s18 =	sadd.s32 $0x400, s18  }
0x103: {  	s7 =	sadd.s32 $0x800, s7;
	s5 =	sadd.s32 $0x17000, s5  }
0x104: {  	[hbm4b:s7+s23] =	stream.strided.scatter [tilespmem:s5], [sflag:$0xB], $0x100, s24, s23, $0x38;
	[tilespmem:$0x1B400] =	vst v63  }
0x105: {  	_ =	swait.ge [sflag:s4], $0x1000  }
0x106: {  	s5 =	sor.u32 $0x1, s8;
	[sflag:s4] =	ssyncset.done $0x0  }
0x107: {  	s7 =	sshll.u32 s5, $0x5;
	[sflag:s4] =	ssyncadd.s32 $0xFFFFF000  }
0x108: {  	s7 =	sand.u32 $0x60, s7;
	_ =	swait.ge [sflag:s30], $0x1000  }
0x109: {  	s7 =	sadd.s32 s7, s29;
	[sflag:s30] =	ssyncset.done $0x0  }
0x10a: {  	s18 =	sor.u32 $0x2800, s7;
	[sflag:s30] =	ssyncadd.s32 $0xFFFFF000  }
0x10b: {  	[tilespmem:s2], [sflag:$0x9] =	stream.indirect.gather [hbm4b:s15+s31], $0x80, s18, s31, $0xb8;
	[tilespmem:$0x1B400] =	vst v63  }
0x10c: {  	s7 =	sadd.s32 $0x2C00, s7  }
0x10d: {  	[tilespmem:s0], [sflag:$0xA] =	stream.indirect.gather [hbm4b:s16+s31], $0x80, s7, s31, $0xb8;
	[tilespmem:$0x1B400] =	vst v63  }
0x10e: {  	s7 =	simm.s32 @!p1 $0xC  }
0x10f: {  	_ =	swait.ge @!p1 [sflag:s7], $0x2000  }
0x110: {  	[sflag:s7] =	ssyncset.done @!p1 $0x0  }
0x111: {  	[sflag:s7] =	ssyncadd.s32 @!p1 $0xFFFFE000  }
0x112: {  	_ =	swait.ge [sflag:s3], $0x1000  }
0x113: {  	[sflag:s3] =	ssyncset.done $0x0  }
0x114: {  	p1 =	sgt.u32 s5, $0x1E;
	s5 =	sshll.u32 s5, $0x13;
	[sflag:s3] =	ssyncadd.s32 $0xFFFFF000  }
0x115: {  	s7 =	sshll.u32 @!p1 s26, $0x6;
	s11 =	simm.s32 @!p1 $0x20;
	_ =	swait.ge [sflag:s1], $0x1000  }
0x116: {  	s18 =	simm.s32 @!p1 $0x13000;
	s7 =	sand.u32 @!p1 $0x3FFFFFC0, s7;
	[sflag:s1] =	ssyncset.done $0x0  }
0x117: {  	s5 =	sadd.s32 s5, s20;
	s8 =	sadd.s32 @!p1 $0x2040, s7;
	[sflag:s1] =	ssyncadd.s32 $0xFFFFF000  }
0x118: {  	[tilespmem:s18], [sflag:$0x7] =	stream.indirect.gather @!p1 [hbm4b:s13+s11], $0x80, s8, s11, $0xb8;
	[tilespmem:$0x1B400] =	vst v63  }
0x119: {  	s5 =	sshrl.u32 s5, $0x3;
	s7 =	sadd.s32 @!p1 $0x2440, s7;
	s8 =	simm.s32 @!p1 $0x14000  }
0x11a: {  	[tilespmem:s8], [sflag:$0x8] =	stream.indirect.gather @!p1 [hbm4b:s14+s11], $0x80, s7, s11, $0xb8;
	[tilespmem:$0x1B400] =	vst v63  }
0x11b: {  	s29 =	simm.s32 $0x19000;
	s7 =	sadd.s32 s5, s22;
	s8 =	simm.s32 $0x400  }
0x11c: {  	[hbm4b:s7+s23] =	stream.strided.scatter [tilespmem:s29], [sflag:$0xC], $0x100, s24, s23, $0x38;
	[tilespmem:$0x1B400] =	vst v63  }
.LBB2_17:
0x11d: {  	p1 =	sne.s32 s8, $0x7C00  }
.Ltmp7:
0x11e: {  	_ = 	snop;
	(pc) =	sbr.rel @p1 .LBB2_17-.Ltmp7, $4  }
0x11f: {  	_ = 	snop  }
0x120: {  	s5 =	sshra.s32 s8, $0x2;
	s8 =	sadd.s32 $0x400, s8  }
0x121: {  	s7 =	sadd.s32 $0x800, s7;
	s5 =	sadd.s32 $0x19000, s5  }
0x122: {  	[hbm4b:s7+s23] =	stream.strided.scatter [tilespmem:s5], [sflag:$0xC], $0x100, s24, s23, $0x38;
	[tilespmem:$0x1B400] =	vst v63  }
0x123: {  	s26 =	sadd.s32 $0x1, s26  }
0x124: {  	p1 =	sne.s32 s26, $0x10  }
.Ltmp8:
0x125: {  	_ = 	snop;
	(pc) =	sbr.rel @p1 .LBB2_14-.Ltmp8, $1  }
0x126: {  	_ =	sdelay $0x3  }
0x127: {  	s5 =	simm.s32 $0xB  }
0x128: {  	_ =	swait.ge [sflag:s5], $0x2000  }
0x129: {  	[sflag:s5] =	ssyncset.done $0x0  }
0x12a: {  	s18 =	simm.s32 $0xC;
	[sflag:s5] =	ssyncadd.s32 $0xFFFFE000  }
0x12b: {  	_ =	swait.ge [sflag:s18], $0x2000  }
0x12c: {  	[sflag:s18] =	ssyncset.done $0x0  }
0x12d: {  	s26 =	simm.s32 $0x5;
	[sflag:s18] =	ssyncadd.s32 $0xFFFFE000  }
0x12e: {  	_ =	swait.ge [sflag:s26], $0x4000  }
0x12f: {  	[sflag:s26] =	ssyncset.done $0x0  }
0x130: {  	s7 =	simm.s32 $0x6;
	[sflag:s26] =	ssyncadd.s32 $0xFFFFC000  }
0x131: {  	_ =	swait.ge [sflag:s7], $0x4000  }
0x132: {  	s8 =	rddreg [dreg:$0x17]  }
0x133: {  	s29 =	rddreg [dreg:$0xb];
	s8 =	sadd.s32 $0x1, s8  }
0x134: {  	p1 =	sne.s32 s8, s29  }
.Ltmp9:
0x135: {  	_ = 	snop;
	(pc) =	sbr.rel @p1 .LBB2_1-.Ltmp9, $3  }
0x136: {  	_ =	sdelay $0x1  }
0x137: {  	[sflag:s7] =	ssyncset.done $0x0  }
0x138: {  	[sflag:s7] =	ssyncadd.s32 $0xFFFFC000  }
0x139: {  	_ =	sfence.sel $0x180000  }
0x13a: {  	[bflag:$0x0] =	sbarrier.arrive $0xFFFF  }
0x13b: {  	_ =	strace $0x90000047  }
0x13c: {  	s0 =	stileid.u32;
	[bflag:$0x2] =	sbarrier.arrive $0xFFFF  }
0x13d: {  	p0 =	sne.s32 s0, $0x0;
	s0 =	rddreg [dreg:$0x4]  }
0x13e: {  	s0 =	sadd.s32 @!p0 $0x100000, s0  }
0x13f: {  	[sflag:s0] =	ssyncadd.tile.s32 @!p0 $0x1;
	_ =	shalt  }
.Lfunc_end2:
_tile_overlayer_lowered:
.L_overlay_start_2:
0x140: {  	(tag) =	ssettag $0x2  }
0x141: {  	s0 =	rddreg [dreg:$0x0];
	s2 =	stileid.u32  }
0x142: {  	s1 =	rddreg [dreg:$0x1];
	p0 =	sne.s32 s2, $0x0  }
0x143: {  	s3 =	rddreg [dreg:$0x2];
	[bflag:$0x3] =	sbarrier.arrive $0xFFFF;
	s2 =	simm.s32 @!p0 $0x1C0D  }
0x144: {  	[timem:s3], [sflag:s2] =	dma.local @!p0 [hbm:s0], s1  }
0x145: {  	s0 =	simm.s32 @!p0 $0xD  }
0x146: {  	_ =	swait.ge @!p0 [sflag:s0], s1  }
0x147: {  	s1 =	ssub.s32 @!p0 $0x0, s1;
	[sflag:s0] =	ssyncset.done @!p0 $0x0  }
0x148: {  	[sflag:s0] =	ssyncadd.s32 @!p0 s1  }
0x149: {  	[bflag:$0x3] =	sbarrier.arrive $0xFFFF  }
0x14a: {  	_ =	shalt  }

</sc_bundles>
